<compile_context>
chip_gen: v7x
topology: tpu7x:2x2x1
jax: 0.10.2.dev20260603
libtpu: 0.0.44.dev20260713+nightly
codegen_flags: <defaults>
</compile_context>

<pallas_src>
import functools

import jax
import jax.numpy as jnp
from jax import lax
from jax.experimental import pallas as pl
from jax.experimental.pallas import tpu as pltpu
from jax.experimental.pallas import tpu_sc as plsc

_N = 10000
_E = 320000
_D = 128
_DH = 64
_NS = 16
_NC = 2
_BLK = 128
_NIT = 157
_EPS = _NIT * _BLK
_EPAD = _EPS * _NS
_AROWS = 10112
_RPS = _AROWS // _NS
_CW = 16
_NBUF = 4
_NBUF_P = 6
_R = 2000
_NB = _N // _R

_sc_mesh = plsc.VectorSubcoreMesh(core_axis_name="c", subcore_axis_name="s")



def _seg_body(with_counts, nbuf, *refs):
    if with_counts:
        (x_lo, x_hi, srcs, dsts, z_d, z_c, ones_c, sum_lo, sum_hi, cnt_out,
         idx_s, idx_d, rows, acc, ones_v, cacc, sem, ssem, csem) = refs
    else:
        (x_lo, x_hi, srcs, dsts, z_d, sum_lo, sum_hi,
         idx_s, idx_d, rows, acc, sem, ssem) = refs
        csem = None
    c = lax.axis_index("c")
    s = lax.axis_index("s")
    sl = pl.ds(s * _RPS, _RPS)
    pltpu.sync_copy(z_d, acc.at[sl])
    pltpu.sync_copy(srcs.at[c, s], idx_s)
    pltpu.sync_copy(dsts.at[c, s], idx_d)
    if with_counts:
        pltpu.sync_copy(z_c, cacc.at[sl])
        pltpu.sync_copy(ones_c, ones_v)
    plsc.subcore_barrier()

    def run_half(x, do_counts):
        for p in range(nbuf - 1):
            pltpu.async_copy(x.at[idx_s.at[p]], rows.at[p], sem)

        def step(j, carry):
            b = j % nbuf
            pltpu.make_async_copy(x.at[idx_s.at[j]], rows.at[b], sem).wait()
            pltpu.async_copy(rows.at[b], acc.at[idx_d.at[j]], ssem, add=True)
            if do_counts:
                pltpu.async_copy(ones_v, cacc.at[idx_d.at[j]], csem, add=True)

            @pl.when(j >= 1)
            def _():
                bp = (j - 1) % nbuf
                pltpu.make_async_copy(rows.at[bp], acc.at[idx_d.at[j - 1]],
                                      ssem).wait()
                if do_counts:
                    pltpu.make_async_copy(ones_v, cacc.at[idx_d.at[j - 1]],
                                          csem).wait()

            @pl.when(j + nbuf - 1 < _NIT)
            def _():
                pltpu.async_copy(x.at[idx_s.at[j + nbuf - 1]],
                                 rows.at[(j + nbuf - 1) % nbuf], sem)
            return carry

        lax.fori_loop(0, _NIT, step, 0)
        pltpu.make_async_copy(rows.at[(_NIT - 1) % nbuf],
                              acc.at[idx_d.at[_NIT - 1]], ssem).wait()
        if do_counts:
            pltpu.make_async_copy(ones_v, cacc.at[idx_d.at[_NIT - 1]],
                                  csem).wait()

    run_half(x_lo, with_counts)
    plsc.subcore_barrier()
    pltpu.sync_copy(acc.at[sl], sum_lo.at[c, sl])
    if with_counts:
        pltpu.sync_copy(cacc.at[sl], cnt_out.at[c, sl])
    pltpu.sync_copy(z_d, acc.at[sl])
    plsc.subcore_barrier()
    run_half(x_hi, False)
    plsc.subcore_barrier()
    pltpu.sync_copy(acc.at[sl], sum_hi.at[c, sl])


def _make_seg_sum(with_counts):
    nbuf = _NBUF if with_counts else _NBUF_P
    half = jax.ShapeDtypeStruct((_NC, _AROWS, _DH), jnp.float32)
    out_type = (half, half)
    if with_counts:
        out_type = (half, half,
                    jax.ShapeDtypeStruct((_NC, _AROWS, _CW), jnp.float32))
    scratch = [
        pltpu.VMEM((_NIT, _BLK), jnp.int32),
        pltpu.VMEM((_NIT, _BLK), jnp.int32),
        pltpu.VMEM((nbuf, _BLK, _DH), jnp.float32),
        pltpu.VMEM_SHARED((_AROWS, _DH), jnp.float32),
    ]
    if with_counts:
        scratch += [
            pltpu.VMEM((_BLK, _CW), jnp.float32),
            pltpu.VMEM_SHARED((_AROWS, _CW), jnp.float32),
        ]
    scratch.append(pltpu.SemaphoreType.DMA)
    scratch.append(pltpu.SemaphoreType.DMA)
    if with_counts:
        scratch.append(pltpu.SemaphoreType.DMA)
    return pl.kernel(
        functools.partial(_seg_body, with_counts, nbuf),
        out_type=out_type,
        mesh=_sc_mesh,
        scratch_types=scratch,
        compiler_params=pltpu.CompilerParams(use_tc_tiling_on_sc=False),
    )



def _proj_body(x, w, b, out_lo, out_hi):
    y = jnp.maximum(
        jnp.dot(x[...], w[0], preferred_element_type=jnp.float32) + b[0], 0.0)
    out_lo[...] = y[:, :_DH]
    out_hi[...] = y[:, _DH:]


def _proj(x, w, b):
    return pl.pallas_call(
        _proj_body,
        grid=(2, _NB),
        in_specs=[
            pl.BlockSpec((_R, _D), lambda t, r: (t * _NB + r, 0)),
            pl.BlockSpec((1, _D, _D), lambda t, r: (t, 0, 0)),
            pl.BlockSpec((1, 1, _D), lambda t, r: (t, 0, 0)),
        ],
        out_specs=[
            pl.BlockSpec((_R, _DH), lambda t, r: (t * _NB + r, 0)),
            pl.BlockSpec((_R, _DH), lambda t, r: (t * _NB + r, 0)),
        ],
        out_shape=[
            jax.ShapeDtypeStruct((2 * _N, _DH), jnp.float32),
            jax.ShapeDtypeStruct((2 * _N, _DH), jnp.float32),
        ],
    )(x, w, b)


def _self_body(x_lo, x_hi, w, b, out):
    x = jnp.concatenate([x_lo[...], x_hi[...]], axis=-1)
    out[...] = jnp.dot(x, w[0], preferred_element_type=jnp.float32) + b[0]


def _selfk(x_lo, x_hi, w, b):
    return pl.pallas_call(
        _self_body,
        grid=(2, _NB),
        in_specs=[
            pl.BlockSpec((_R, _DH), lambda t, r: (t * _NB + r, 0)),
            pl.BlockSpec((_R, _DH), lambda t, r: (t * _NB + r, 0)),
            pl.BlockSpec((1, _D, _D), lambda t, r: (t, 0, 0)),
            pl.BlockSpec((1, 1, _D), lambda t, r: (t, 0, 0)),
        ],
        out_specs=pl.BlockSpec((_R, _D), lambda t, r: (t * _NB + r, 0)),
        out_shape=jax.ShapeDtypeStruct((2 * _N, _D), jnp.float32),
    )(x_lo, x_hi, w, b)


def _layer_body(sums_lo, sums_hi, cnts, selfres, wn, bn, g, b,
                out_lo, out_hi):
    seg = jnp.concatenate([sums_lo[0], sums_hi[0]], axis=-1)
    cnt = cnts[0, :, 0:1]
    mean = seg / jnp.maximum(cnt, 1.0)
    m_hi = mean.astype(jnp.bfloat16).astype(jnp.float32)
    m_lo = mean - m_hi
    agg = (jnp.dot(m_hi, wn[0], preferred_element_type=jnp.float32)
           + jnp.dot(m_lo, wn[0], preferred_element_type=jnp.float32))
    agg = agg + jnp.where(cnt > 0.0, 1.0, 0.0) * bn[0]
    res = agg + selfres[...]
    mu = jnp.mean(res, axis=-1, keepdims=True)
    var = jnp.mean((res - mu) ** 2, axis=-1, keepdims=True)
    y = (res - mu) / jnp.sqrt(var + 1e-5) * g[0] + b[0]
    y = jnp.maximum(y, 0.0)
    out_lo[...] = y[:, :_DH]
    out_hi[...] = y[:, _DH:]


def _layer(sums_lo, sums_hi, cnts, selfres, wn, bn, g, b):
    return pl.pallas_call(
        _layer_body,
        grid=(2, _NB),
        in_specs=[
            pl.BlockSpec((1, _R, _DH), lambda t, r: (t, r, 0)),
            pl.BlockSpec((1, _R, _DH), lambda t, r: (t, r, 0)),
            pl.BlockSpec((1, _R, _CW), lambda t, r: (t, r, 0)),
            pl.BlockSpec((_R, _D), lambda t, r: (t * _NB + r, 0)),
            pl.BlockSpec((1, _D, _D), lambda t, r: (t, 0, 0)),
            pl.BlockSpec((1, 1, _D), lambda t, r: (t, 0, 0)),
            pl.BlockSpec((1, 1, _D), lambda t, r: (t, 0, 0)),
            pl.BlockSpec((1, 1, _D), lambda t, r: (t, 0, 0)),
        ],
        out_specs=[
            pl.BlockSpec((_R, _DH), lambda t, r: (t * _NB + r, 0)),
            pl.BlockSpec((_R, _DH), lambda t, r: (t * _NB + r, 0)),
        ],
        out_shape=[
            jax.ShapeDtypeStruct((2 * _N, _DH), jnp.float32),
            jax.ShapeDtypeStruct((2 * _N, _DH), jnp.float32),
        ],
    )(sums_lo, sums_hi, cnts, selfres, wn, bn, g, b)


def _head_body(x_lo, x_hi, w1, b1, w2, b2, out):
    x = jnp.concatenate([x_lo[...], x_hi[...]], axis=-1)
    h = jnp.maximum(
        jnp.dot(x, w1[...], preferred_element_type=jnp.float32) + b1[0], 0.0)
    res = jnp.dot(h, w2[...], preferred_element_type=jnp.float32) + b2[0, 0, 0]
    out[...] = res[:, 0]


def _head(x_lo, x_hi, w1, b1, w2, b2):
    return pl.pallas_call(
        _head_body,
        grid=(1,),
        in_specs=[
            pl.BlockSpec((_N, _DH), lambda i: (0, 0)),
            pl.BlockSpec((_N, _DH), lambda i: (0, 0)),
            pl.BlockSpec((_D, _D // 2), lambda i: (0, 0)),
            pl.BlockSpec((1, 1, _D // 2), lambda i: (0, 0, 0)),
            pl.BlockSpec((_D // 2, 1), lambda i: (0, 0)),
            pl.BlockSpec((1, 1, 1), lambda i: (0, 0, 0)),
        ],
        out_specs=pl.BlockSpec((_N,), lambda i: (0,)),
        out_shape=jax.ShapeDtypeStruct((_N,), jnp.float32),
    )(x_lo, x_hi, w1, b1, w2, b2)



def _stack_w(a, b):
    return jnp.stack([a, b])


def _stack_b(a, b):
    return jnp.stack([a, b]).reshape(2, 1, _D)


def kernel(x_AdsInfo, x_User, e_user_ad_src, e_user_ad_dst, e_ad_user_src,
           e_ad_user_dst, n_AdsInfo, n_User,
           in_W_AdsInfo, in_b_AdsInfo, in_W_User, in_b_User,
           Wn_l0_user_to_ad, bn_l0_user_to_ad, Ws_l0_user_to_ad,
           bs_l0_user_to_ad, Wn_l0_ad_to_user, bn_l0_ad_to_user,
           Ws_l0_ad_to_user, bs_l0_ad_to_user, ln_g_l0_AdsInfo,
           ln_b_l0_AdsInfo, ln_g_l0_User, ln_b_l0_User,
           Wn_l1_user_to_ad, bn_l1_user_to_ad, Ws_l1_user_to_ad,
           bs_l1_user_to_ad, Wn_l1_ad_to_user, bn_l1_ad_to_user,
           Ws_l1_ad_to_user, bs_l1_ad_to_user, ln_g_l1_AdsInfo,
           ln_b_l1_AdsInfo, ln_g_l1_User, ln_b_l1_User,
           head_W1, head_b1, head_W2, head_b2):
    pad = _EPAD - _E

    def _pad_idx(a, fill):
        return jnp.concatenate(
            [a.astype(jnp.int32), jnp.full((pad,), fill, jnp.int32)])

    srcs = jnp.stack([
        _pad_idx(e_user_ad_src + _N, 0),
        _pad_idx(e_ad_user_src, 0),
    ]).reshape(_NC, _NS, _NIT, _BLK)
    dsts = jnp.stack([
        _pad_idx(e_user_ad_dst, _N),
        _pad_idx(e_ad_user_dst, _N),
    ]).reshape(_NC, _NS, _NIT, _BLK)

    z_d = jnp.zeros((_RPS, _DH), jnp.float32)
    z_c = jnp.zeros((_RPS, _CW), jnp.float32)
    ones_c = jnp.ones((_BLK, _CW), jnp.float32)

    seg_cnt = _make_seg_sum(True)
    seg = _make_seg_sum(False)

    x_cat = jnp.concatenate([x_AdsInfo, x_User], axis=0)
    x0_lo, x0_hi = _proj(x_cat, _stack_w(in_W_AdsInfo, in_W_User),
                         _stack_b(in_b_AdsInfo, in_b_User))

    sums0_lo, sums0_hi, cnts = seg_cnt(x0_lo, x0_hi, srcs, dsts, z_d,
                                       z_c, ones_c)
    self0 = _selfk(x0_lo, x0_hi,
                   _stack_w(Ws_l0_user_to_ad, Ws_l0_ad_to_user),
                   _stack_b(bs_l0_user_to_ad, bs_l0_ad_to_user))
    x1_lo, x1_hi = _layer(sums0_lo, sums0_hi, cnts, self0,
                          _stack_w(Wn_l0_user_to_ad, Wn_l0_ad_to_user),
                          _stack_b(bn_l0_user_to_ad, bn_l0_ad_to_user),
                          _stack_b(ln_g_l0_AdsInfo, ln_g_l0_User),
                          _stack_b(ln_b_l0_AdsInfo, ln_b_l0_User))

    sums1_lo, sums1_hi = seg(x1_lo, x1_hi, srcs, dsts, z_d)
    self1 = _selfk(x1_lo, x1_hi,
                   _stack_w(Ws_l1_user_to_ad, Ws_l1_ad_to_user),
                   _stack_b(bs_l1_user_to_ad, bs_l1_ad_to_user))
    x2_lo, x2_hi = _layer(sums1_lo, sums1_hi, cnts, self1,
                          _stack_w(Wn_l1_user_to_ad, Wn_l1_ad_to_user),
                          _stack_b(bn_l1_user_to_ad, bn_l1_ad_to_user),
                          _stack_b(ln_g_l1_AdsInfo, ln_g_l1_User),
                          _stack_b(ln_b_l1_AdsInfo, ln_b_l1_User))

    return _head(x2_lo, x2_hi, head_W1, head_b1.reshape(1, 1, _D // 2),
                 head_W2, head_b2.reshape(1, 1, 1))

# --- scband reference (transcript-rebuilt; emitter-appended) ---
"""Pipeline reference for scband-standard-hetero-sage-1099511628154 (READ-ONLY COPY).

The authoritative reference and input builder live on the scoring server;
editing this copy changes nothing except your own understanding.
"""

import jax, jax.numpy as jnp
import numpy as np

N = 10000
E = 320000
D = 128
H = 128
TYPES = ['AdsInfo', 'User']
ETYPES = [('user_to_ad', 'User', 'AdsInfo', 'e_user_ad_src', 'e_user_ad_dst', 'n_AdsInfo'), ('ad_to_user', 'AdsInfo', 'User', 'e_ad_user_src', 'e_ad_user_dst', 'n_User')]
NUM_LAYERS = 2
INT_KEYS = ['e_user_ad_src', 'e_user_ad_dst', 'e_ad_user_src', 'e_ad_user_dst', 'n_AdsInfo', 'n_User']


def setup_inputs(seed: int = 0):
    key = jax.random.key(seed)
    c = [0]
    def nk():
        c[0] += 1
        return jax.random.fold_in(key, c[0])
    inp = {}
    for t in TYPES:
        inp['x_' + t] = jax.random.normal(nk(), (N, D), dtype=jnp.float32)
    inp['e_user_ad_src'] = jax.random.randint(nk(), (E,), 0, N)
    inp['e_user_ad_dst'] = jax.random.randint(nk(), (E,), 0, N)
    inp['e_ad_user_src'] = jax.random.randint(nk(), (E,), 0, N)
    inp['e_ad_user_dst'] = jax.random.randint(nk(), (E,), 0, N)
    inp['n_AdsInfo'] = N
    inp['n_User'] = N
    for t in TYPES:
        inp['in_W_' + t] = jax.random.normal(nk(), (D, H), dtype=jnp.float32) * 0.05
        inp['in_b_' + t] = jnp.zeros((H,), dtype=jnp.float32)
    for l in range(NUM_LAYERS):
        for et in ['user_to_ad', 'ad_to_user']:
            inp[f'Wn_l{l}_{et}'] = jax.random.normal(nk(), (H, H), dtype=jnp.float32) * 0.05
            inp[f'bn_l{l}_{et}'] = jnp.zeros((H,), dtype=jnp.float32)
            inp[f'Ws_l{l}_{et}'] = jax.random.normal(nk(), (H, H), dtype=jnp.float32) * 0.05
            inp[f'bs_l{l}_{et}'] = jnp.zeros((H,), dtype=jnp.float32)
        for t in TYPES:
            inp[f'ln_g_l{l}_{t}'] = jnp.ones((H,), dtype=jnp.float32)
            inp[f'ln_b_l{l}_{t}'] = jnp.zeros((H,), dtype=jnp.float32)
    inp['head_W1'] = jax.random.normal(nk(), (H, H // 2), dtype=jnp.float32) * 0.05
    inp['head_b1'] = jnp.zeros((H // 2,), dtype=jnp.float32)
    inp['head_W2'] = jax.random.normal(nk(), (H // 2, 1), dtype=jnp.float32) * 0.05
    inp['head_b2'] = jnp.zeros((1,), dtype=jnp.float32)
    return inp


def scatter_mean(src, index, dim_size):
    out = jax.ops.segment_sum(src, index, num_segments=dim_size)
    cnt = jax.ops.segment_sum(jnp.ones((src.shape[0], 1), src.dtype), index, num_segments=dim_size)
    return out / jnp.clip(cnt, 1.0, None)


def layer_norm(x, g, b, eps=1e-5):
    mu = jnp.mean(x, axis=-1, keepdims=True)
    var = jnp.mean((x - mu) ** 2, axis=-1, keepdims=True)
    return (x - mu) / jnp.sqrt(var + eps) * g + b


def _forward(fl, ints):
    # input projections + relu
    x = {t: jax.nn.relu(fl['x_' + t] @ fl['in_W_' + t] + fl['in_b_' + t]) for t in TYPES}
    for l in range(NUM_LAYERS):
        out = {}
        for et, st, dt, es, ed, nd in ETYPES:
            # BipartiteSAGEConv: gather src feats, lin_neigh, scatter-mean to dst, + lin_self(dst)
            neigh = x[st][ints[es]]
            h = neigh @ fl[f'Wn_l{l}_{et}'] + fl[f'bn_l{l}_{et}']
            agg = scatter_mean(h, ints[ed], x[dt].shape[0])
            agg = agg + jnp.zeros_like(agg) * ints[nd]
            res = agg + x[dt] @ fl[f'Ws_l{l}_{et}'] + fl[f'bs_l{l}_{et}']
            out[dt] = res if dt not in out else out[dt] + res
        new_x = {}
        for t in TYPES:
            if t in out:
                # dropout is identity in eval mode
                new_x[t] = jax.nn.relu(layer_norm(out[t], fl[f'ln_g_l{l}_{t}'], fl[f'ln_b_l{l}_{t}']))
            else:
                new_x[t] = x[t]
        x = new_x
    h = jax.nn.relu(x['AdsInfo'] @ fl['head_W1'] + fl['head_b1'])
    return jnp.squeeze(h @ fl['head_W2'] + fl['head_b2'], axis=-1)


def reference(x_AdsInfo, x_User, e_user_ad_src, e_user_ad_dst, e_ad_user_src,
              e_ad_user_dst, n_AdsInfo, n_User,
              in_W_AdsInfo, in_b_AdsInfo, in_W_User, in_b_User,
              Wn_l0_user_to_ad, bn_l0_user_to_ad, Ws_l0_user_to_ad, bs_l0_user_to_ad,
              Wn_l0_ad_to_user, bn_l0_ad_to_user, Ws_l0_ad_to_user, bs_l0_ad_to_user,
              ln_g_l0_AdsInfo, ln_b_l0_AdsInfo, ln_g_l0_User, ln_b_l0_User,
              Wn_l1_user_to_ad, bn_l1_user_to_ad, Ws_l1_user_to_ad, bs_l1_user_to_ad,
              Wn_l1_ad_to_user, bn_l1_ad_to_user, Ws_l1_ad_to_user, bs_l1_ad_to_user,
              ln_g_l1_AdsInfo, ln_b_l1_AdsInfo, ln_g_l1_User, ln_b_l1_User,
              head_W1, head_b1, head_W2, head_b2):
    inp = dict(locals())
    ints = {k: inp[k] for k in INT_KEYS}
    fl = {k: v for k, v in inp.items() if k not in INT_KEYS}
    return _forward(fl, ints)

if __name__ == "__main__":
    import jax
    _d = setup_inputs()
    print(jax.jit(kernel)(*tuple(_d.values())))

</pallas_src>

<mosaic_0001>
#map = affine_map<(d0, d1) -> (0, 0)>
#map1 = affine_map<(d0, d1) -> (0, 0, 0, 0)>
#map2 = affine_map<(d0, d1) -> (0, 0, 0)>
module attributes {stable_mosaic.version = 14 : i64} {
  func.func @_seg_body(%arg0: i32, %arg1: i32, %arg2: memref<20000x64xf32, #tpu.memory_space<hbm>>, %arg3: memref<20000x64xf32, #tpu.memory_space<hbm>>, %arg4: memref<2x16x157x128xi32, #tpu.memory_space<hbm>>, %arg5: memref<2x16x157x128xi32, #tpu.memory_space<hbm>>, %arg6: memref<632x64xf32, #tpu.memory_space<hbm>>, %arg7: memref<2x10112x64xf32, #tpu.memory_space<hbm>>, %arg8: memref<2x10112x64xf32, #tpu.memory_space<hbm>>, %arg9: memref<157x128xi32, #tpu.memory_space<vmem>>, %arg10: memref<157x128xi32, #tpu.memory_space<vmem>>, %arg11: memref<6x128x64xf32, #tpu.memory_space<vmem>>, %arg12: memref<10112x64xf32, #tpu.memory_space<vmem_shared>>, %arg13: memref<!tpu.dma_semaphore, #tpu.memory_space<semaphore_mem>>, %arg14: memref<!tpu.dma_semaphore, #tpu.memory_space<semaphore_mem>>) attributes {dimension_semantics = [#tpu.dimension_semantics<core_parallel>, #tpu.dimension_semantics<subcore_parallel>], iteration_bounds = array<i64: 2, 16>, scalar_prefetch = 0 : i64, scratch_operands = 6 : i64, tpu.core_type = #tpu.core_type<sc_vector_subcore>, window_params = [{transform_indices = #map}, {transform_indices = #map}, {transform_indices = #map1}, {transform_indices = #map1}, {transform_indices = #map}, {transform_indices = #map2}, {transform_indices = #map2}]} {
    %mul3A = arith.constant 632 : i32
    %mul3A_0 = arith.muli %arg1, %mul3A : i32
    "tpu.region"() ({
      %run_scoped3A = tpu.sem_alloc : memref<!tpu.dma_semaphore, #tpu.memory_space<semaphore_mem>>
      %dma_start3A_157 = arith.constant 0 : i32
      %dma_start3A_158 = tpu.memref_slice %arg12[%mul3A_0, %dma_start3A_157] : memref<10112x64xf32, #tpu.memory_space<vmem_shared>> -> memref<632x64xf32, #tpu.memory_space<vmem_shared>>
      tpu.enqueue_dma source(%arg6 : memref<632x64xf32, #tpu.memory_space<hbm>>) target(%dma_start3A_158 : memref<632x64xf32, #tpu.memory_space<vmem_shared>>) target_semaphore(%run_scoped3A : memref<!tpu.dma_semaphore, #tpu.memory_space<semaphore_mem>>)
      %dma_wait3A_159 = arith.constant 0 : i32
      %dma_wait3A_160 = tpu.memref_slice %arg12[%mul3A_0, %dma_wait3A_159] : memref<10112x64xf32, #tpu.memory_space<vmem_shared>> -> memref<632x64xf32, #tpu.memory_space<vmem_shared>>
      tpu.wait_dma2 semaphore(%run_scoped3A : memref<!tpu.dma_semaphore, #tpu.memory_space<semaphore_mem>>) src(%arg6 : memref<632x64xf32, #tpu.memory_space<hbm>>) dst(%dma_wait3A_160 : memref<632x64xf32, #tpu.memory_space<vmem_shared>>)
      tpu.yield
    }) : () -> ()
    "tpu.region"() ({
      %run_scoped3A = tpu.sem_alloc : memref<!tpu.dma_semaphore, #tpu.memory_space<semaphore_mem>>
      %dma_start3A_157 = arith.constant 0 : i32
      %dma_start3A_158 = arith.constant 0 : i32
      %dma_start3A_159 = tpu.memref_slice %arg4[%arg0, %arg1, %dma_start3A_157, %dma_start3A_158] : memref<2x16x157x128xi32, #tpu.memory_space<hbm>> -> memref<1x1x157x128xi32, #tpu.memory_space<hbm>>
      %dma_start3A_160 = tpu.memref_squeeze %dma_start3A_159 : memref<1x1x157x128xi32, #tpu.memory_space<hbm>> -> memref<157x128xi32, #tpu.memory_space<hbm>>
      %dma_start3A_161 = arith.constant 0 : i32
      %dma_start3A_162 = arith.constant 0 : i32
      %dma_start3A_163 = tpu.memref_slice %arg4[%arg0, %arg1, %dma_start3A_161, %dma_start3A_162] : memref<2x16x157x128xi32, #tpu.memory_space<hbm>> -> memref<1x1x157x128xi32, #tpu.memory_space<hbm>>
      %dma_start3A_164 = tpu.memref_squeeze %dma_start3A_163 : memref<1x1x157x128xi32, #tpu.memory_space<hbm>> -> memref<157x128xi32, #tpu.memory_space<hbm>>
      tpu.enqueue_dma source(%dma_start3A_164 : memref<157x128xi32, #tpu.memory_space<hbm>>) target(%arg9 : memref<157x128xi32, #tpu.memory_space<vmem>>) target_semaphore(%run_scoped3A : memref<!tpu.dma_semaphore, #tpu.memory_space<semaphore_mem>>)
      %dma_wait3A_165 = arith.constant 0 : i32
      %dma_wait3A_166 = arith.constant 0 : i32
      %dma_wait3A_167 = tpu.memref_slice %arg4[%arg0, %arg1, %dma_wait3A_165, %dma_wait3A_166] : memref<2x16x157x128xi32, #tpu.memory_space<hbm>> -> memref<1x1x157x128xi32, #tpu.memory_space<hbm>>
      %dma_wait3A_168 = tpu.memref_squeeze %dma_wait3A_167 : memref<1x1x157x128xi32, #tpu.memory_space<hbm>> -> memref<157x128xi32, #tpu.memory_space<hbm>>
      %dma_wait3A_169 = arith.constant 0 : i32
      %dma_wait3A_170 = arith.constant 0 : i32
      %dma_wait3A_171 = tpu.memref_slice %arg4[%arg0, %arg1, %dma_wait3A_169, %dma_wait3A_170] : memref<2x16x157x128xi32, #tpu.memory_space<hbm>> -> memref<1x1x157x128xi32, #tpu.memory_space<hbm>>
      %dma_wait3A_172 = tpu.memref_squeeze %dma_wait3A_171 : memref<1x1x157x128xi32, #tpu.memory_space<hbm>> -> memref<157x128xi32, #tpu.memory_space<hbm>>
      tpu.wait_dma2 semaphore(%run_scoped3A : memref<!tpu.dma_semaphore, #tpu.memory_space<semaphore_mem>>) src(%dma_wait3A_172 : memref<157x128xi32, #tpu.memory_space<hbm>>) dst(%arg9 : memref<157x128xi32, #tpu.memory_space<vmem>>)
      tpu.yield
    }) : () -> ()
    "tpu.region"() ({
      %run_scoped3A = tpu.sem_alloc : memref<!tpu.dma_semaphore, #tpu.memory_space<semaphore_mem>>
      %dma_start3A_157 = arith.constant 0 : i32
      %dma_start3A_158 = arith.constant 0 : i32
      %dma_start3A_159 = tpu.memref_slice %arg5[%arg0, %arg1, %dma_start3A_157, %dma_start3A_158] : memref<2x16x157x128xi32, #tpu.memory_space<hbm>> -> memref<1x1x157x128xi32, #tpu.memory_space<hbm>>
      %dma_start3A_160 = tpu.memref_squeeze %dma_start3A_159 : memref<1x1x157x128xi32, #tpu.memory_space<hbm>> -> memref<157x128xi32, #tpu.memory_space<hbm>>
      %dma_start3A_161 = arith.constant 0 : i32
      %dma_start3A_162 = arith.constant 0 : i32
      %dma_start3A_163 = tpu.memref_slice %arg5[%arg0, %arg1, %dma_start3A_161, %dma_start3A_162] : memref<2x16x157x128xi32, #tpu.memory_space<hbm>> -> memref<1x1x157x128xi32, #tpu.memory_space<hbm>>
      %dma_start3A_164 = tpu.memref_squeeze %dma_start3A_163 : memref<1x1x157x128xi32, #tpu.memory_space<hbm>> -> memref<157x128xi32, #tpu.memory_space<hbm>>
      tpu.enqueue_dma source(%dma_start3A_164 : memref<157x128xi32, #tpu.memory_space<hbm>>) target(%arg10 : memref<157x128xi32, #tpu.memory_space<vmem>>) target_semaphore(%run_scoped3A : memref<!tpu.dma_semaphore, #tpu.memory_space<semaphore_mem>>)
      %dma_wait3A_165 = arith.constant 0 : i32
      %dma_wait3A_166 = arith.constant 0 : i32
      %dma_wait3A_167 = tpu.memref_slice %arg5[%arg0, %arg1, %dma_wait3A_165, %dma_wait3A_166] : memref<2x16x157x128xi32, #tpu.memory_space<hbm>> -> memref<1x1x157x128xi32, #tpu.memory_space<hbm>>
      %dma_wait3A_168 = tpu.memref_squeeze %dma_wait3A_167 : memref<1x1x157x128xi32, #tpu.memory_space<hbm>> -> memref<157x128xi32, #tpu.memory_space<hbm>>
      %dma_wait3A_169 = arith.constant 0 : i32
      %dma_wait3A_170 = arith.constant 0 : i32
      %dma_wait3A_171 = tpu.memref_slice %arg5[%arg0, %arg1, %dma_wait3A_169, %dma_wait3A_170] : memref<2x16x157x128xi32, #tpu.memory_space<hbm>> -> memref<1x1x157x128xi32, #tpu.memory_space<hbm>>
      %dma_wait3A_172 = tpu.memref_squeeze %dma_wait3A_171 : memref<1x1x157x128xi32, #tpu.memory_space<hbm>> -> memref<157x128xi32, #tpu.memory_space<hbm>>
      tpu.wait_dma2 semaphore(%run_scoped3A : memref<!tpu.dma_semaphore, #tpu.memory_space<semaphore_mem>>) src(%dma_wait3A_172 : memref<157x128xi32, #tpu.memory_space<hbm>>) dst(%arg10 : memref<157x128xi32, #tpu.memory_space<vmem>>)
      tpu.yield
    }) : () -> ()
    %barrier3A = arith.constant 0 : index
    tpu.barrier barrier_id(%barrier3A)
    %dma_start3A = arith.constant 0 : i32
    %dma_start3A_1 = arith.constant 0 : i32
    %dma_start3A_2 = arith.constant 0 : i32
    %dma_start3A_3 = arith.constant 0 : i32
    %dma_start3A_4 = tpu.memref_slice %arg11[%dma_start3A_1, %dma_start3A_2, %dma_start3A_3] : memref<6x128x64xf32, #tpu.memory_space<vmem>> -> memref<1x128x64xf32, #tpu.memory_space<vmem>>
    %dma_start3A_5 = tpu.memref_squeeze %dma_start3A_4 : memref<1x128x64xf32, #tpu.memory_space<vmem>> -> memref<128x64xf32, #tpu.memory_space<vmem>>
    %dma_start3A_6 = arith.constant 0 : i32
    %dma_start3A_7 = tpu.memref_slice %arg9[%dma_start3A, %dma_start3A_6] : memref<157x128xi32, #tpu.memory_space<vmem>> -> memref<1x128xi32, #tpu.memory_space<vmem>>
    %dma_start3A_8 = tpu.memref_squeeze %dma_start3A_7 : memref<1x128xi32, #tpu.memory_space<vmem>> -> memref<128xi32, #tpu.memory_space<vmem>>
    %dma_start3A_9 = arith.constant 0 : i32
    %dma_start3A_10 = arith.constant 0 : i32
    %dma_start3A_11 = tpu.memref_slice %arg2[%dma_start3A_9, %dma_start3A_10] : memref<20000x64xf32, #tpu.memory_space<hbm>> -> memref<20000x64xf32, #tpu.memory_space<hbm>>
    tpu.enqueue_indirect_dma source(%dma_start3A_11 : memref<20000x64xf32, #tpu.memory_space<hbm>>) target(%dma_start3A_5 : memref<128x64xf32, #tpu.memory_space<vmem>>) offsets(%dma_start3A_8 : memref<128xi32, #tpu.memory_space<vmem>>) semaphore(%arg13 : memref<!tpu.dma_semaphore, #tpu.memory_space<semaphore_mem>>)
    %dma_start3A_12 = arith.constant 1 : i32
    %dma_start3A_13 = arith.constant 1 : i32
    %dma_start3A_14 = arith.constant 0 : i32
    %dma_start3A_15 = arith.constant 0 : i32
    %dma_start3A_16 = tpu.memref_slice %arg11[%dma_start3A_13, %dma_start3A_14, %dma_start3A_15] : memref<6x128x64xf32, #tpu.memory_space<vmem>> -> memref<1x128x64xf32, #tpu.memory_space<vmem>>
    %dma_start3A_17 = tpu.memref_squeeze %dma_start3A_16 : memref<1x128x64xf32, #tpu.memory_space<vmem>> -> memref<128x64xf32, #tpu.memory_space<vmem>>
    %dma_start3A_18 = arith.constant 0 : i32
    %dma_start3A_19 = tpu.memref_slice %arg9[%dma_start3A_12, %dma_start3A_18] : memref<157x128xi32, #tpu.memory_space<vmem>> -> memref<1x128xi32, #tpu.memory_space<vmem>>
    %dma_start3A_20 = tpu.memref_squeeze %dma_start3A_19 : memref<1x128xi32, #tpu.memory_space<vmem>> -> memref<128xi32, #tpu.memory_space<vmem>>
    %dma_start3A_21 = arith.constant 0 : i32
    %dma_start3A_22 = arith.constant 0 : i32
    %dma_start3A_23 = tpu.memref_slice %arg2[%dma_start3A_21, %dma_start3A_22] : memref<20000x64xf32, #tpu.memory_space<hbm>> -> memref<20000x64xf32, #tpu.memory_space<hbm>>
    tpu.enqueue_indirect_dma source(%dma_start3A_23 : memref<20000x64xf32, #tpu.memory_space<hbm>>) target(%dma_start3A_17 : memref<128x64xf32, #tpu.memory_space<vmem>>) offsets(%dma_start3A_20 : memref<128xi32, #tpu.memory_space<vmem>>) semaphore(%arg13 : memref<!tpu.dma_semaphore, #tpu.memory_space<semaphore_mem>>)
    %dma_start3A_24 = arith.constant 2 : i32
    %dma_start3A_25 = arith.constant 2 : i32
    %dma_start3A_26 = arith.constant 0 : i32
    %dma_start3A_27 = arith.constant 0 : i32
    %dma_start3A_28 = tpu.memref_slice %arg11[%dma_start3A_25, %dma_start3A_26, %dma_start3A_27] : memref<6x128x64xf32, #tpu.memory_space<vmem>> -> memref<1x128x64xf32, #tpu.memory_space<vmem>>
    %dma_start3A_29 = tpu.memref_squeeze %dma_start3A_28 : memref<1x128x64xf32, #tpu.memory_space<vmem>> -> memref<128x64xf32, #tpu.memory_space<vmem>>
    %dma_start3A_30 = arith.constant 0 : i32
    %dma_start3A_31 = tpu.memref_slice %arg9[%dma_start3A_24, %dma_start3A_30] : memref<157x128xi32, #tpu.memory_space<vmem>> -> memref<1x128xi32, #tpu.memory_space<vmem>>
    %dma_start3A_32 = tpu.memref_squeeze %dma_start3A_31 : memref<1x128xi32, #tpu.memory_space<vmem>> -> memref<128xi32, #tpu.memory_space<vmem>>
    %dma_start3A_33 = arith.constant 0 : i32
    %dma_start3A_34 = arith.constant 0 : i32
    %dma_start3A_35 = tpu.memref_slice %arg2[%dma_start3A_33, %dma_start3A_34] : memref<20000x64xf32, #tpu.memory_space<hbm>> -> memref<20000x64xf32, #tpu.memory_space<hbm>>
    tpu.enqueue_indirect_dma source(%dma_start3A_35 : memref<20000x64xf32, #tpu.memory_space<hbm>>) target(%dma_start3A_29 : memref<128x64xf32, #tpu.memory_space<vmem>>) offsets(%dma_start3A_32 : memref<128xi32, #tpu.memory_space<vmem>>) semaphore(%arg13 : memref<!tpu.dma_semaphore, #tpu.memory_space<semaphore_mem>>)
    %dma_start3A_36 = arith.constant 3 : i32
    %dma_start3A_37 = arith.constant 3 : i32
    %dma_start3A_38 = arith.constant 0 : i32
    %dma_start3A_39 = arith.constant 0 : i32
    %dma_start3A_40 = tpu.memref_slice %arg11[%dma_start3A_37, %dma_start3A_38, %dma_start3A_39] : memref<6x128x64xf32, #tpu.memory_space<vmem>> -> memref<1x128x64xf32, #tpu.memory_space<vmem>>
    %dma_start3A_41 = tpu.memref_squeeze %dma_start3A_40 : memref<1x128x64xf32, #tpu.memory_space<vmem>> -> memref<128x64xf32, #tpu.memory_space<vmem>>
    %dma_start3A_42 = arith.constant 0 : i32
    %dma_start3A_43 = tpu.memref_slice %arg9[%dma_start3A_36, %dma_start3A_42] : memref<157x128xi32, #tpu.memory_space<vmem>> -> memref<1x128xi32, #tpu.memory_space<vmem>>
    %dma_start3A_44 = tpu.memref_squeeze %dma_start3A_43 : memref<1x128xi32, #tpu.memory_space<vmem>> -> memref<128xi32, #tpu.memory_space<vmem>>
    %dma_start3A_45 = arith.constant 0 : i32
    %dma_start3A_46 = arith.constant 0 : i32
    %dma_start3A_47 = tpu.memref_slice %arg2[%dma_start3A_45, %dma_start3A_46] : memref<20000x64xf32, #tpu.memory_space<hbm>> -> memref<20000x64xf32, #tpu.memory_space<hbm>>
    tpu.enqueue_indirect_dma source(%dma_start3A_47 : memref<20000x64xf32, #tpu.memory_space<hbm>>) target(%dma_start3A_41 : memref<128x64xf32, #tpu.memory_space<vmem>>) offsets(%dma_start3A_44 : memref<128xi32, #tpu.memory_space<vmem>>) semaphore(%arg13 : memref<!tpu.dma_semaphore, #tpu.memory_space<semaphore_mem>>)
    %dma_start3A_48 = arith.constant 4 : i32
    %dma_start3A_49 = arith.constant 4 : i32
    %dma_start3A_50 = arith.constant 0 : i32
    %dma_start3A_51 = arith.constant 0 : i32
    %dma_start3A_52 = tpu.memref_slice %arg11[%dma_start3A_49, %dma_start3A_50, %dma_start3A_51] : memref<6x128x64xf32, #tpu.memory_space<vmem>> -> memref<1x128x64xf32, #tpu.memory_space<vmem>>
    %dma_start3A_53 = tpu.memref_squeeze %dma_start3A_52 : memref<1x128x64xf32, #tpu.memory_space<vmem>> -> memref<128x64xf32, #tpu.memory_space<vmem>>
    %dma_start3A_54 = arith.constant 0 : i32
    %dma_start3A_55 = tpu.memref_slice %arg9[%dma_start3A_48, %dma_start3A_54] : memref<157x128xi32, #tpu.memory_space<vmem>> -> memref<1x128xi32, #tpu.memory_space<vmem>>
    %dma_start3A_56 = tpu.memref_squeeze %dma_start3A_55 : memref<1x128xi32, #tpu.memory_space<vmem>> -> memref<128xi32, #tpu.memory_space<vmem>>
    %dma_start3A_57 = arith.constant 0 : i32
    %dma_start3A_58 = arith.constant 0 : i32
    %dma_start3A_59 = tpu.memref_slice %arg2[%dma_start3A_57, %dma_start3A_58] : memref<20000x64xf32, #tpu.memory_space<hbm>> -> memref<20000x64xf32, #tpu.memory_space<hbm>>
    tpu.enqueue_indirect_dma source(%dma_start3A_59 : memref<20000x64xf32, #tpu.memory_space<hbm>>) target(%dma_start3A_53 : memref<128x64xf32, #tpu.memory_space<vmem>>) offsets(%dma_start3A_56 : memref<128xi32, #tpu.memory_space<vmem>>) semaphore(%arg13 : memref<!tpu.dma_semaphore, #tpu.memory_space<semaphore_mem>>)
    %scan3A = arith.constant 0 : i32
    %scan3A_60 = arith.constant 0 : i32
    %scan3A_61 = arith.constant 157 : i32
    %scan3A_62 = arith.addi %scan3A_60, %scan3A_61 : i32
    %scan3A_63 = arith.constant 1 : i32
    scf.for %scan3A_157 = %scan3A_60 to %scan3A_62 step %scan3A_63  : i32 {
      %jit3A = arith.constant 6 : i32
      %eq3A = arith.constant 0 : i32
      %eq3A_158 = arith.cmpi eq, %jit3A, %eq3A : i32
      %jit3A_159 = arith.constant 1 : i32
      %select_n3A = arith.select %eq3A_158, %jit3A_159, %jit3A : i32
      %rem3A = arith.remsi %scan3A_157, %select_n3A : i32
      %ne3A = arith.constant 0 : i32
      %ne3A_160 = arith.cmpi ne, %rem3A, %ne3A : i32
      %lt3A = arith.constant 0 : i32
      %lt3A_161 = arith.cmpi slt, %rem3A, %lt3A : i32
      %lt3A_162 = arith.constant 0 : i32
      %lt3A_163 = arith.cmpi slt, %select_n3A, %lt3A_162 : i32
      %ne3A_164 = arith.xori %lt3A_161, %lt3A_163 : i1
      %and3A = arith.andi %ne3A_164, %ne3A_160 : i1
      %add3A = arith.addi %rem3A, %select_n3A : i32
      %select_n3A_165 = arith.select %and3A, %add3A, %rem3A : i32
      %dma_wait3A_166 = arith.constant 0 : i32
      %dma_wait3A_167 = arith.constant 0 : i32
      %dma_wait3A_168 = tpu.memref_slice %arg11[%select_n3A_165, %dma_wait3A_166, %dma_wait3A_167] : memref<6x128x64xf32, #tpu.memory_space<vmem>> -> memref<1x128x64xf32, #tpu.memory_space<vmem>>
      %dma_wait3A_169 = tpu.memref_squeeze %dma_wait3A_168 : memref<1x128x64xf32, #tpu.memory_space<vmem>> -> memref<128x64xf32, #tpu.memory_space<vmem>>
      %dma_wait3A_170 = arith.constant 0 : i32
      %dma_wait3A_171 = tpu.memref_slice %arg9[%scan3A_157, %dma_wait3A_170] : memref<157x128xi32, #tpu.memory_space<vmem>> -> memref<1x128xi32, #tpu.memory_space<vmem>>
      %dma_wait3A_172 = tpu.memref_squeeze %dma_wait3A_171 : memref<1x128xi32, #tpu.memory_space<vmem>> -> memref<128xi32, #tpu.memory_space<vmem>>
      %dma_wait3A_173 = arith.constant 0 : i32
      %dma_wait3A_174 = arith.constant 0 : i32
      %dma_wait3A_175 = tpu.memref_slice %arg2[%dma_wait3A_173, %dma_wait3A_174] : memref<20000x64xf32, #tpu.memory_space<hbm>> -> memref<20000x64xf32, #tpu.memory_space<hbm>>
      tpu.wait_indirect_dma semaphore(%arg13 : memref<!tpu.dma_semaphore, #tpu.memory_space<semaphore_mem>>) src(%dma_wait3A_175 : memref<20000x64xf32, #tpu.memory_space<hbm>>) dst(%dma_wait3A_169 : memref<128x64xf32, #tpu.memory_space<vmem>>)
      %dma_start3A_176 = arith.constant 0 : i32
      %dma_start3A_177 = arith.constant 0 : i32
      %dma_start3A_178 = tpu.memref_slice %arg11[%select_n3A_165, %dma_start3A_176, %dma_start3A_177] : memref<6x128x64xf32, #tpu.memory_space<vmem>> -> memref<1x128x64xf32, #tpu.memory_space<vmem>>
      %dma_start3A_179 = tpu.memref_squeeze %dma_start3A_178 : memref<1x128x64xf32, #tpu.memory_space<vmem>> -> memref<128x64xf32, #tpu.memory_space<vmem>>
      %dma_start3A_180 = arith.constant 0 : i32
      %dma_start3A_181 = tpu.memref_slice %arg10[%scan3A_157, %dma_start3A_180] : memref<157x128xi32, #tpu.memory_space<vmem>> -> memref<1x128xi32, #tpu.memory_space<vmem>>
      %dma_start3A_182 = tpu.memref_squeeze %dma_start3A_181 : memref<1x128xi32, #tpu.memory_space<vmem>> -> memref<128xi32, #tpu.memory_space<vmem>>
      %dma_start3A_183 = arith.constant 0 : i32
      %dma_start3A_184 = arith.constant 0 : i32
      %dma_start3A_185 = tpu.memref_slice %arg12[%dma_start3A_183, %dma_start3A_184] : memref<10112x64xf32, #tpu.memory_space<vmem_shared>> -> memref<10112x64xf32, #tpu.memory_space<vmem_shared>>
      tpu.enqueue_indirect_dma source(%dma_start3A_179 : memref<128x64xf32, #tpu.memory_space<vmem>>) target(%dma_start3A_185 : memref<10112x64xf32, #tpu.memory_space<vmem_shared>>) offsets(%dma_start3A_182 : memref<128xi32, #tpu.memory_space<vmem>>) semaphore(%arg14 : memref<!tpu.dma_semaphore, #tpu.memory_space<semaphore_mem>>) {add = true}
      %ge3A = arith.constant 1 : i32
      %ge3A_186 = arith.cmpi sge, %scan3A_157, %ge3A : i32
      %convert_element_type3A = arith.extui %ge3A_186 : i1 to i32
      %cond3A = arith.constant 0 : i32
      %cond3A_187 = arith.cmpi ne, %convert_element_type3A, %cond3A : i32
      scf.if %cond3A_187 {
        %sub3A_196 = arith.constant 1 : i32
        %sub3A_197 = arith.subi %scan3A_157, %sub3A_196 : i32
        %jit3A_198 = arith.constant 6 : i32
        %eq3A_199 = arith.constant 0 : i32
        %eq3A_200 = arith.cmpi eq, %jit3A_198, %eq3A_199 : i32
        %jit3A_201 = arith.constant 1 : i32
        %select_n3A_202 = arith.select %eq3A_200, %jit3A_201, %jit3A_198 : i32
        %rem3A_203 = arith.remsi %sub3A_197, %select_n3A_202 : i32
        %ne3A_204 = arith.constant 0 : i32
        %ne3A_205 = arith.cmpi ne, %rem3A_203, %ne3A_204 : i32
        %lt3A_206 = arith.constant 0 : i32
        %lt3A_207 = arith.cmpi slt, %rem3A_203, %lt3A_206 : i32
        %lt3A_208 = arith.constant 0 : i32
        %lt3A_209 = arith.cmpi slt, %select_n3A_202, %lt3A_208 : i32
        %ne3A_210 = arith.xori %lt3A_207, %lt3A_209 : i1
        %and3A_211 = arith.andi %ne3A_210, %ne3A_205 : i1
        %add3A_212 = arith.addi %rem3A_203, %select_n3A_202 : i32
        %select_n3A_213 = arith.select %and3A_211, %add3A_212, %rem3A_203 : i32
        %sub3A_214 = arith.constant 1 : i32
        %sub3A_215 = arith.subi %scan3A_157, %sub3A_214 : i32
        %dma_wait3A_216 = arith.constant 0 : i32
        %dma_wait3A_217 = arith.constant 0 : i32
        %dma_wait3A_218 = tpu.memref_slice %arg11[%select_n3A_213, %dma_wait3A_216, %dma_wait3A_217] : memref<6x128x64xf32, #tpu.memory_space<vmem>> -> memref<1x128x64xf32, #tpu.memory_space<vmem>>
        %dma_wait3A_219 = tpu.memref_squeeze %dma_wait3A_218 : memref<1x128x64xf32, #tpu.memory_space<vmem>> -> memref<128x64xf32, #tpu.memory_space<vmem>>
        %dma_wait3A_220 = arith.constant 0 : i32
        %dma_wait3A_221 = tpu.memref_slice %arg10[%sub3A_215, %dma_wait3A_220] : memref<157x128xi32, #tpu.memory_space<vmem>> -> memref<1x128xi32, #tpu.memory_space<vmem>>
        %dma_wait3A_222 = tpu.memref_squeeze %dma_wait3A_221 : memref<1x128xi32, #tpu.memory_space<vmem>> -> memref<128xi32, #tpu.memory_space<vmem>>
        %dma_wait3A_223 = arith.constant 0 : i32
        %dma_wait3A_224 = arith.constant 0 : i32
        %dma_wait3A_225 = tpu.memref_slice %arg12[%dma_wait3A_223, %dma_wait3A_224] : memref<10112x64xf32, #tpu.memory_space<vmem_shared>> -> memref<10112x64xf32, #tpu.memory_space<vmem_shared>>
        tpu.wait_indirect_dma semaphore(%arg14 : memref<!tpu.dma_semaphore, #tpu.memory_space<semaphore_mem>>) src(%dma_wait3A_219 : memref<128x64xf32, #tpu.memory_space<vmem>>) dst(%dma_wait3A_225 : memref<10112x64xf32, #tpu.memory_space<vmem_shared>>)
      } else {
      }
      %add3A_188 = arith.constant 6 : i32
      %add3A_189 = arith.addi %scan3A_157, %add3A_188 : i32
      %sub3A = arith.constant 1 : i32
      %sub3A_190 = arith.subi %add3A_189, %sub3A : i32
      %lt3A_191 = arith.constant 157 : i32
      %lt3A_192 = arith.cmpi slt, %sub3A_190, %lt3A_191 : i32
      %convert_element_type3A_193 = arith.extui %lt3A_192 : i1 to i32
      %cond3A_194 = arith.constant 0 : i32
      %cond3A_195 = arith.cmpi ne, %convert_element_type3A_193, %cond3A_194 : i32
      scf.if %cond3A_195 {
        %add3A_196 = arith.constant 6 : i32
        %add3A_197 = arith.addi %scan3A_157, %add3A_196 : i32
        %sub3A_198 = arith.constant 1 : i32
        %sub3A_199 = arith.subi %add3A_197, %sub3A_198 : i32
        %add3A_200 = arith.constant 6 : i32
        %add3A_201 = arith.addi %scan3A_157, %add3A_200 : i32
        %sub3A_202 = arith.constant 1 : i32
        %sub3A_203 = arith.subi %add3A_201, %sub3A_202 : i32
        %jit3A_204 = arith.constant 6 : i32
        %eq3A_205 = arith.constant 0 : i32
        %eq3A_206 = arith.cmpi eq, %jit3A_204, %eq3A_205 : i32
        %jit3A_207 = arith.constant 1 : i32
        %select_n3A_208 = arith.select %eq3A_206, %jit3A_207, %jit3A_204 : i32
        %rem3A_209 = arith.remsi %sub3A_203, %select_n3A_208 : i32
        %ne3A_210 = arith.constant 0 : i32
        %ne3A_211 = arith.cmpi ne, %rem3A_209, %ne3A_210 : i32
        %lt3A_212 = arith.constant 0 : i32
        %lt3A_213 = arith.cmpi slt, %rem3A_209, %lt3A_212 : i32
        %lt3A_214 = arith.constant 0 : i32
        %lt3A_215 = arith.cmpi slt, %select_n3A_208, %lt3A_214 : i32
        %ne3A_216 = arith.xori %lt3A_213, %lt3A_215 : i1
        %and3A_217 = arith.andi %ne3A_216, %ne3A_211 : i1
        %add3A_218 = arith.addi %rem3A_209, %select_n3A_208 : i32
        %select_n3A_219 = arith.select %and3A_217, %add3A_218, %rem3A_209 : i32
        %dma_start3A_220 = arith.constant 0 : i32
        %dma_start3A_221 = arith.constant 0 : i32
        %dma_start3A_222 = tpu.memref_slice %arg11[%select_n3A_219, %dma_start3A_220, %dma_start3A_221] : memref<6x128x64xf32, #tpu.memory_space<vmem>> -> memref<1x128x64xf32, #tpu.memory_space<vmem>>
        %dma_start3A_223 = tpu.memref_squeeze %dma_start3A_222 : memref<1x128x64xf32, #tpu.memory_space<vmem>> -> memref<128x64xf32, #tpu.memory_space<vmem>>
        %dma_start3A_224 = arith.constant 0 : i32
        %dma_start3A_225 = tpu.memref_slice %arg9[%sub3A_199, %dma_start3A_224] : memref<157x128xi32, #tpu.memory_space<vmem>> -> memref<1x128xi32, #tpu.memory_space<vmem>>
        %dma_start3A_226 = tpu.memref_squeeze %dma_start3A_225 : memref<1x128xi32, #tpu.memory_space<vmem>> -> memref<128xi32, #tpu.memory_space<vmem>>
        %dma_start3A_227 = arith.constant 0 : i32
        %dma_start3A_228 = arith.constant 0 : i32
        %dma_start3A_229 = tpu.memref_slice %arg2[%dma_start3A_227, %dma_start3A_228] : memref<20000x64xf32, #tpu.memory_space<hbm>> -> memref<20000x64xf32, #tpu.memory_space<hbm>>
        tpu.enqueue_indirect_dma source(%dma_start3A_229 : memref<20000x64xf32, #tpu.memory_space<hbm>>) target(%dma_start3A_223 : memref<128x64xf32, #tpu.memory_space<vmem>>) offsets(%dma_start3A_226 : memref<128xi32, #tpu.memory_space<vmem>>) semaphore(%arg13 : memref<!tpu.dma_semaphore, #tpu.memory_space<semaphore_mem>>)
      } else {
      }
    }
    %scan3A_64 = arith.constant 157 : i32
    %dma_wait3A = arith.constant 0 : i32
    %dma_wait3A_65 = arith.constant 156 : i32
    %dma_wait3A_66 = arith.constant 0 : i32
    %dma_wait3A_67 = arith.constant 0 : i32
    %dma_wait3A_68 = tpu.memref_slice %arg11[%dma_wait3A, %dma_wait3A_66, %dma_wait3A_67] : memref<6x128x64xf32, #tpu.memory_space<vmem>> -> memref<1x128x64xf32, #tpu.memory_space<vmem>>
    %dma_wait3A_69 = tpu.memref_squeeze %dma_wait3A_68 : memref<1x128x64xf32, #tpu.memory_space<vmem>> -> memref<128x64xf32, #tpu.memory_space<vmem>>
    %dma_wait3A_70 = arith.constant 0 : i32
    %dma_wait3A_71 = tpu.memref_slice %arg10[%dma_wait3A_65, %dma_wait3A_70] : memref<157x128xi32, #tpu.memory_space<vmem>> -> memref<1x128xi32, #tpu.memory_space<vmem>>
    %dma_wait3A_72 = tpu.memref_squeeze %dma_wait3A_71 : memref<1x128xi32, #tpu.memory_space<vmem>> -> memref<128xi32, #tpu.memory_space<vmem>>
    %dma_wait3A_73 = arith.constant 0 : i32
    %dma_wait3A_74 = arith.constant 0 : i32
    %dma_wait3A_75 = tpu.memref_slice %arg12[%dma_wait3A_73, %dma_wait3A_74] : memref<10112x64xf32, #tpu.memory_space<vmem_shared>> -> memref<10112x64xf32, #tpu.memory_space<vmem_shared>>
    tpu.wait_indirect_dma semaphore(%arg14 : memref<!tpu.dma_semaphore, #tpu.memory_space<semaphore_mem>>) src(%dma_wait3A_69 : memref<128x64xf32, #tpu.memory_space<vmem>>) dst(%dma_wait3A_75 : memref<10112x64xf32, #tpu.memory_space<vmem_shared>>)
    %barrier3A_76 = arith.constant 0 : index
    tpu.barrier barrier_id(%barrier3A_76)
    "tpu.region"() ({
      %run_scoped3A = tpu.sem_alloc : memref<!tpu.dma_semaphore, #tpu.memory_space<semaphore_mem>>
      %dma_start3A_157 = arith.constant 0 : i32
      %dma_start3A_158 = tpu.memref_slice %arg7[%arg0, %mul3A_0, %dma_start3A_157] : memref<2x10112x64xf32, #tpu.memory_space<hbm>> -> memref<1x632x64xf32, #tpu.memory_space<hbm>>
      %dma_start3A_159 = tpu.memref_squeeze %dma_start3A_158 : memref<1x632x64xf32, #tpu.memory_space<hbm>> -> memref<632x64xf32, #tpu.memory_space<hbm>>
      %dma_start3A_160 = arith.constant 0 : i32
      %dma_start3A_161 = tpu.memref_slice %arg12[%mul3A_0, %dma_start3A_160] : memref<10112x64xf32, #tpu.memory_space<vmem_shared>> -> memref<632x64xf32, #tpu.memory_space<vmem_shared>>
      tpu.enqueue_dma source(%dma_start3A_161 : memref<632x64xf32, #tpu.memory_space<vmem_shared>>) target(%dma_start3A_159 : memref<632x64xf32, #tpu.memory_space<hbm>>) target_semaphore(%run_scoped3A : memref<!tpu.dma_semaphore, #tpu.memory_space<semaphore_mem>>)
      %dma_wait3A_162 = arith.constant 0 : i32
      %dma_wait3A_163 = tpu.memref_slice %arg7[%arg0, %mul3A_0, %dma_wait3A_162] : memref<2x10112x64xf32, #tpu.memory_space<hbm>> -> memref<1x632x64xf32, #tpu.memory_space<hbm>>
      %dma_wait3A_164 = tpu.memref_squeeze %dma_wait3A_163 : memref<1x632x64xf32, #tpu.memory_space<hbm>> -> memref<632x64xf32, #tpu.memory_space<hbm>>
      %dma_wait3A_165 = arith.constant 0 : i32
      %dma_wait3A_166 = tpu.memref_slice %arg12[%mul3A_0, %dma_wait3A_165] : memref<10112x64xf32, #tpu.memory_space<vmem_shared>> -> memref<632x64xf32, #tpu.memory_space<vmem_shared>>
      tpu.wait_dma2 semaphore(%run_scoped3A : memref<!tpu.dma_semaphore, #tpu.memory_space<semaphore_mem>>) src(%dma_wait3A_166 : memref<632x64xf32, #tpu.memory_space<vmem_shared>>) dst(%dma_wait3A_164 : memref<632x64xf32, #tpu.memory_space<hbm>>)
      tpu.yield
    }) : () -> ()
    "tpu.region"() ({
      %run_scoped3A = tpu.sem_alloc : memref<!tpu.dma_semaphore, #tpu.memory_space<semaphore_mem>>
      %dma_start3A_157 = arith.constant 0 : i32
      %dma_start3A_158 = tpu.memref_slice %arg12[%mul3A_0, %dma_start3A_157] : memref<10112x64xf32, #tpu.memory_space<vmem_shared>> -> memref<632x64xf32, #tpu.memory_space<vmem_shared>>
      tpu.enqueue_dma source(%arg6 : memref<632x64xf32, #tpu.memory_space<hbm>>) target(%dma_start3A_158 : memref<632x64xf32, #tpu.memory_space<vmem_shared>>) target_semaphore(%run_scoped3A : memref<!tpu.dma_semaphore, #tpu.memory_space<semaphore_mem>>)
      %dma_wait3A_159 = arith.constant 0 : i32
      %dma_wait3A_160 = tpu.memref_slice %arg12[%mul3A_0, %dma_wait3A_159] : memref<10112x64xf32, #tpu.memory_space<vmem_shared>> -> memref<632x64xf32, #tpu.memory_space<vmem_shared>>
      tpu.wait_dma2 semaphore(%run_scoped3A : memref<!tpu.dma_semaphore, #tpu.memory_space<semaphore_mem>>) src(%arg6 : memref<632x64xf32, #tpu.memory_space<hbm>>) dst(%dma_wait3A_160 : memref<632x64xf32, #tpu.memory_space<vmem_shared>>)
      tpu.yield
    }) : () -> ()
    %barrier3A_77 = arith.constant 0 : index
    tpu.barrier barrier_id(%barrier3A_77)
    %dma_start3A_78 = arith.constant 0 : i32
    %dma_start3A_79 = arith.constant 0 : i32
    %dma_start3A_80 = arith.constant 0 : i32
    %dma_start3A_81 = arith.constant 0 : i32
    %dma_start3A_82 = tpu.memref_slice %arg11[%dma_start3A_79, %dma_start3A_80, %dma_start3A_81] : memref<6x128x64xf32, #tpu.memory_space<vmem>> -> memref<1x128x64xf32, #tpu.memory_space<vmem>>
    %dma_start3A_83 = tpu.memref_squeeze %dma_start3A_82 : memref<1x128x64xf32, #tpu.memory_space<vmem>> -> memref<128x64xf32, #tpu.memory_space<vmem>>
    %dma_start3A_84 = arith.constant 0 : i32
    %dma_start3A_85 = tpu.memref_slice %arg9[%dma_start3A_78, %dma_start3A_84] : memref<157x128xi32, #tpu.memory_space<vmem>> -> memref<1x128xi32, #tpu.memory_space<vmem>>
    %dma_start3A_86 = tpu.memref_squeeze %dma_start3A_85 : memref<1x128xi32, #tpu.memory_space<vmem>> -> memref<128xi32, #tpu.memory_space<vmem>>
    %dma_start3A_87 = arith.constant 0 : i32
    %dma_start3A_88 = arith.constant 0 : i32
    %dma_start3A_89 = tpu.memref_slice %arg3[%dma_start3A_87, %dma_start3A_88] : memref<20000x64xf32, #tpu.memory_space<hbm>> -> memref<20000x64xf32, #tpu.memory_space<hbm>>
    tpu.enqueue_indirect_dma source(%dma_start3A_89 : memref<20000x64xf32, #tpu.memory_space<hbm>>) target(%dma_start3A_83 : memref<128x64xf32, #tpu.memory_space<vmem>>) offsets(%dma_start3A_86 : memref<128xi32, #tpu.memory_space<vmem>>) semaphore(%arg13 : memref<!tpu.dma_semaphore, #tpu.memory_space<semaphore_mem>>)
    %dma_start3A_90 = arith.constant 1 : i32
    %dma_start3A_91 = arith.constant 1 : i32
    %dma_start3A_92 = arith.constant 0 : i32
    %dma_start3A_93 = arith.constant 0 : i32
    %dma_start3A_94 = tpu.memref_slice %arg11[%dma_start3A_91, %dma_start3A_92, %dma_start3A_93] : memref<6x128x64xf32, #tpu.memory_space<vmem>> -> memref<1x128x64xf32, #tpu.memory_space<vmem>>
    %dma_start3A_95 = tpu.memref_squeeze %dma_start3A_94 : memref<1x128x64xf32, #tpu.memory_space<vmem>> -> memref<128x64xf32, #tpu.memory_space<vmem>>
    %dma_start3A_96 = arith.constant 0 : i32
    %dma_start3A_97 = tpu.memref_slice %arg9[%dma_start3A_90, %dma_start3A_96] : memref<157x128xi32, #tpu.memory_space<vmem>> -> memref<1x128xi32, #tpu.memory_space<vmem>>
    %dma_start3A_98 = tpu.memref_squeeze %dma_start3A_97 : memref<1x128xi32, #tpu.memory_space<vmem>> -> memref<128xi32, #tpu.memory_space<vmem>>
    %dma_start3A_99 = arith.constant 0 : i32
    %dma_start3A_100 = arith.constant 0 : i32
    %dma_start3A_101 = tpu.memref_slice %arg3[%dma_start3A_99, %dma_start3A_100] : memref<20000x64xf32, #tpu.memory_space<hbm>> -> memref<20000x64xf32, #tpu.memory_space<hbm>>
    tpu.enqueue_indirect_dma source(%dma_start3A_101 : memref<20000x64xf32, #tpu.memory_space<hbm>>) target(%dma_start3A_95 : memref<128x64xf32, #tpu.memory_space<vmem>>) offsets(%dma_start3A_98 : memref<128xi32, #tpu.memory_space<vmem>>) semaphore(%arg13 : memref<!tpu.dma_semaphore, #tpu.memory_space<semaphore_mem>>)
    %dma_start3A_102 = arith.constant 2 : i32
    %dma_start3A_103 = arith.constant 2 : i32
    %dma_start3A_104 = arith.constant 0 : i32
    %dma_start3A_105 = arith.constant 0 : i32
    %dma_start3A_106 = tpu.memref_slice %arg11[%dma_start3A_103, %dma_start3A_104, %dma_start3A_105] : memref<6x128x64xf32, #tpu.memory_space<vmem>> -> memref<1x128x64xf32, #tpu.memory_space<vmem>>
    %dma_start3A_107 = tpu.memref_squeeze %dma_start3A_106 : memref<1x128x64xf32, #tpu.memory_space<vmem>> -> memref<128x64xf32, #tpu.memory_space<vmem>>
    %dma_start3A_108 = arith.constant 0 : i32
    %dma_start3A_109 = tpu.memref_slice %arg9[%dma_start3A_102, %dma_start3A_108] : memref<157x128xi32, #tpu.memory_space<vmem>> -> memref<1x128xi32, #tpu.memory_space<vmem>>
    %dma_start3A_110 = tpu.memref_squeeze %dma_start3A_109 : memref<1x128xi32, #tpu.memory_space<vmem>> -> memref<128xi32, #tpu.memory_space<vmem>>
    %dma_start3A_111 = arith.constant 0 : i32
    %dma_start3A_112 = arith.constant 0 : i32
    %dma_start3A_113 = tpu.memref_slice %arg3[%dma_start3A_111, %dma_start3A_112] : memref<20000x64xf32, #tpu.memory_space<hbm>> -> memref<20000x64xf32, #tpu.memory_space<hbm>>
    tpu.enqueue_indirect_dma source(%dma_start3A_113 : memref<20000x64xf32, #tpu.memory_space<hbm>>) target(%dma_start3A_107 : memref<128x64xf32, #tpu.memory_space<vmem>>) offsets(%dma_start3A_110 : memref<128xi32, #tpu.memory_space<vmem>>) semaphore(%arg13 : memref<!tpu.dma_semaphore, #tpu.memory_space<semaphore_mem>>)
    %dma_start3A_114 = arith.constant 3 : i32
    %dma_start3A_115 = arith.constant 3 : i32
    %dma_start3A_116 = arith.constant 0 : i32
    %dma_start3A_117 = arith.constant 0 : i32
    %dma_start3A_118 = tpu.memref_slice %arg11[%dma_start3A_115, %dma_start3A_116, %dma_start3A_117] : memref<6x128x64xf32, #tpu.memory_space<vmem>> -> memref<1x128x64xf32, #tpu.memory_space<vmem>>
    %dma_start3A_119 = tpu.memref_squeeze %dma_start3A_118 : memref<1x128x64xf32, #tpu.memory_space<vmem>> -> memref<128x64xf32, #tpu.memory_space<vmem>>
    %dma_start3A_120 = arith.constant 0 : i32
    %dma_start3A_121 = tpu.memref_slice %arg9[%dma_start3A_114, %dma_start3A_120] : memref<157x128xi32, #tpu.memory_space<vmem>> -> memref<1x128xi32, #tpu.memory_space<vmem>>
    %dma_start3A_122 = tpu.memref_squeeze %dma_start3A_121 : memref<1x128xi32, #tpu.memory_space<vmem>> -> memref<128xi32, #tpu.memory_space<vmem>>
    %dma_start3A_123 = arith.constant 0 : i32
    %dma_start3A_124 = arith.constant 0 : i32
    %dma_start3A_125 = tpu.memref_slice %arg3[%dma_start3A_123, %dma_start3A_124] : memref<20000x64xf32, #tpu.memory_space<hbm>> -> memref<20000x64xf32, #tpu.memory_space<hbm>>
    tpu.enqueue_indirect_dma source(%dma_start3A_125 : memref<20000x64xf32, #tpu.memory_space<hbm>>) target(%dma_start3A_119 : memref<128x64xf32, #tpu.memory_space<vmem>>) offsets(%dma_start3A_122 : memref<128xi32, #tpu.memory_space<vmem>>) semaphore(%arg13 : memref<!tpu.dma_semaphore, #tpu.memory_space<semaphore_mem>>)
    %dma_start3A_126 = arith.constant 4 : i32
    %dma_start3A_127 = arith.constant 4 : i32
    %dma_start3A_128 = arith.constant 0 : i32
    %dma_start3A_129 = arith.constant 0 : i32
    %dma_start3A_130 = tpu.memref_slice %arg11[%dma_start3A_127, %dma_start3A_128, %dma_start3A_129] : memref<6x128x64xf32, #tpu.memory_space<vmem>> -> memref<1x128x64xf32, #tpu.memory_space<vmem>>
    %dma_start3A_131 = tpu.memref_squeeze %dma_start3A_130 : memref<1x128x64xf32, #tpu.memory_space<vmem>> -> memref<128x64xf32, #tpu.memory_space<vmem>>
    %dma_start3A_132 = arith.constant 0 : i32
    %dma_start3A_133 = tpu.memref_slice %arg9[%dma_start3A_126, %dma_start3A_132] : memref<157x128xi32, #tpu.memory_space<vmem>> -> memref<1x128xi32, #tpu.memory_space<vmem>>
    %dma_start3A_134 = tpu.memref_squeeze %dma_start3A_133 : memref<1x128xi32, #tpu.memory_space<vmem>> -> memref<128xi32, #tpu.memory_space<vmem>>
    %dma_start3A_135 = arith.constant 0 : i32
    %dma_start3A_136 = arith.constant 0 : i32
    %dma_start3A_137 = tpu.memref_slice %arg3[%dma_start3A_135, %dma_start3A_136] : memref<20000x64xf32, #tpu.memory_space<hbm>> -> memref<20000x64xf32, #tpu.memory_space<hbm>>
    tpu.enqueue_indirect_dma source(%dma_start3A_137 : memref<20000x64xf32, #tpu.memory_space<hbm>>) target(%dma_start3A_131 : memref<128x64xf32, #tpu.memory_space<vmem>>) offsets(%dma_start3A_134 : memref<128xi32, #tpu.memory_space<vmem>>) semaphore(%arg13 : memref<!tpu.dma_semaphore, #tpu.memory_space<semaphore_mem>>)
    %scan3A_138 = arith.constant 0 : i32
    %scan3A_139 = arith.constant 0 : i32
    %scan3A_140 = arith.constant 157 : i32
    %scan3A_141 = arith.addi %scan3A_139, %scan3A_140 : i32
    %scan3A_142 = arith.constant 1 : i32
    scf.for %scan3A_157 = %scan3A_139 to %scan3A_141 step %scan3A_142  : i32 {
      %jit3A = arith.constant 6 : i32
      %eq3A = arith.constant 0 : i32
      %eq3A_158 = arith.cmpi eq, %jit3A, %eq3A : i32
      %jit3A_159 = arith.constant 1 : i32
      %select_n3A = arith.select %eq3A_158, %jit3A_159, %jit3A : i32
      %rem3A = arith.remsi %scan3A_157, %select_n3A : i32
      %ne3A = arith.constant 0 : i32
      %ne3A_160 = arith.cmpi ne, %rem3A, %ne3A : i32
      %lt3A = arith.constant 0 : i32
      %lt3A_161 = arith.cmpi slt, %rem3A, %lt3A : i32
      %lt3A_162 = arith.constant 0 : i32
      %lt3A_163 = arith.cmpi slt, %select_n3A, %lt3A_162 : i32
      %ne3A_164 = arith.xori %lt3A_161, %lt3A_163 : i1
      %and3A = arith.andi %ne3A_164, %ne3A_160 : i1
      %add3A = arith.addi %rem3A, %select_n3A : i32
      %select_n3A_165 = arith.select %and3A, %add3A, %rem3A : i32
      %dma_wait3A_166 = arith.constant 0 : i32
      %dma_wait3A_167 = arith.constant 0 : i32
      %dma_wait3A_168 = tpu.memref_slice %arg11[%select_n3A_165, %dma_wait3A_166, %dma_wait3A_167] : memref<6x128x64xf32, #tpu.memory_space<vmem>> -> memref<1x128x64xf32, #tpu.memory_space<vmem>>
      %dma_wait3A_169 = tpu.memref_squeeze %dma_wait3A_168 : memref<1x128x64xf32, #tpu.memory_space<vmem>> -> memref<128x64xf32, #tpu.memory_space<vmem>>
      %dma_wait3A_170 = arith.constant 0 : i32
      %dma_wait3A_171 = tpu.memref_slice %arg9[%scan3A_157, %dma_wait3A_170] : memref<157x128xi32, #tpu.memory_space<vmem>> -> memref<1x128xi32, #tpu.memory_space<vmem>>
      %dma_wait3A_172 = tpu.memref_squeeze %dma_wait3A_171 : memref<1x128xi32, #tpu.memory_space<vmem>> -> memref<128xi32, #tpu.memory_space<vmem>>
      %dma_wait3A_173 = arith.constant 0 : i32
      %dma_wait3A_174 = arith.constant 0 : i32
      %dma_wait3A_175 = tpu.memref_slice %arg3[%dma_wait3A_173, %dma_wait3A_174] : memref<20000x64xf32, #tpu.memory_space<hbm>> -> memref<20000x64xf32, #tpu.memory_space<hbm>>
      tpu.wait_indirect_dma semaphore(%arg13 : memref<!tpu.dma_semaphore, #tpu.memory_space<semaphore_mem>>) src(%dma_wait3A_175 : memref<20000x64xf32, #tpu.memory_space<hbm>>) dst(%dma_wait3A_169 : memref<128x64xf32, #tpu.memory_space<vmem>>)
      %dma_start3A_176 = arith.constant 0 : i32
      %dma_start3A_177 = arith.constant 0 : i32
      %dma_start3A_178 = tpu.memref_slice %arg11[%select_n3A_165, %dma_start3A_176, %dma_start3A_177] : memref<6x128x64xf32, #tpu.memory_space<vmem>> -> memref<1x128x64xf32, #tpu.memory_space<vmem>>
      %dma_start3A_179 = tpu.memref_squeeze %dma_start3A_178 : memref<1x128x64xf32, #tpu.memory_space<vmem>> -> memref<128x64xf32, #tpu.memory_space<vmem>>
      %dma_start3A_180 = arith.constant 0 : i32
      %dma_start3A_181 = tpu.memref_slice %arg10[%scan3A_157, %dma_start3A_180] : memref<157x128xi32, #tpu.memory_space<vmem>> -> memref<1x128xi32, #tpu.memory_space<vmem>>
      %dma_start3A_182 = tpu.memref_squeeze %dma_start3A_181 : memref<1x128xi32, #tpu.memory_space<vmem>> -> memref<128xi32, #tpu.memory_space<vmem>>
      %dma_start3A_183 = arith.constant 0 : i32
      %dma_start3A_184 = arith.constant 0 : i32
      %dma_start3A_185 = tpu.memref_slice %arg12[%dma_start3A_183, %dma_start3A_184] : memref<10112x64xf32, #tpu.memory_space<vmem_shared>> -> memref<10112x64xf32, #tpu.memory_space<vmem_shared>>
      tpu.enqueue_indirect_dma source(%dma_start3A_179 : memref<128x64xf32, #tpu.memory_space<vmem>>) target(%dma_start3A_185 : memref<10112x64xf32, #tpu.memory_space<vmem_shared>>) offsets(%dma_start3A_182 : memref<128xi32, #tpu.memory_space<vmem>>) semaphore(%arg14 : memref<!tpu.dma_semaphore, #tpu.memory_space<semaphore_mem>>) {add = true}
      %ge3A = arith.constant 1 : i32
      %ge3A_186 = arith.cmpi sge, %scan3A_157, %ge3A : i32
      %convert_element_type3A = arith.extui %ge3A_186 : i1 to i32
      %cond3A = arith.constant 0 : i32
      %cond3A_187 = arith.cmpi ne, %convert_element_type3A, %cond3A : i32
      scf.if %cond3A_187 {
        %sub3A_196 = arith.constant 1 : i32
        %sub3A_197 = arith.subi %scan3A_157, %sub3A_196 : i32
        %jit3A_198 = arith.constant 6 : i32
        %eq3A_199 = arith.constant 0 : i32
        %eq3A_200 = arith.cmpi eq, %jit3A_198, %eq3A_199 : i32
        %jit3A_201 = arith.constant 1 : i32
        %select_n3A_202 = arith.select %eq3A_200, %jit3A_201, %jit3A_198 : i32
        %rem3A_203 = arith.remsi %sub3A_197, %select_n3A_202 : i32
        %ne3A_204 = arith.constant 0 : i32
        %ne3A_205 = arith.cmpi ne, %rem3A_203, %ne3A_204 : i32
        %lt3A_206 = arith.constant 0 : i32
        %lt3A_207 = arith.cmpi slt, %rem3A_203, %lt3A_206 : i32
        %lt3A_208 = arith.constant 0 : i32
        %lt3A_209 = arith.cmpi slt, %select_n3A_202, %lt3A_208 : i32
        %ne3A_210 = arith.xori %lt3A_207, %lt3A_209 : i1
        %and3A_211 = arith.andi %ne3A_210, %ne3A_205 : i1
        %add3A_212 = arith.addi %rem3A_203, %select_n3A_202 : i32
        %select_n3A_213 = arith.select %and3A_211, %add3A_212, %rem3A_203 : i32
        %sub3A_214 = arith.constant 1 : i32
        %sub3A_215 = arith.subi %scan3A_157, %sub3A_214 : i32
        %dma_wait3A_216 = arith.constant 0 : i32
        %dma_wait3A_217 = arith.constant 0 : i32
        %dma_wait3A_218 = tpu.memref_slice %arg11[%select_n3A_213, %dma_wait3A_216, %dma_wait3A_217] : memref<6x128x64xf32, #tpu.memory_space<vmem>> -> memref<1x128x64xf32, #tpu.memory_space<vmem>>
        %dma_wait3A_219 = tpu.memref_squeeze %dma_wait3A_218 : memref<1x128x64xf32, #tpu.memory_space<vmem>> -> memref<128x64xf32, #tpu.memory_space<vmem>>
        %dma_wait3A_220 = arith.constant 0 : i32
        %dma_wait3A_221 = tpu.memref_slice %arg10[%sub3A_215, %dma_wait3A_220] : memref<157x128xi32, #tpu.memory_space<vmem>> -> memref<1x128xi32, #tpu.memory_space<vmem>>
        %dma_wait3A_222 = tpu.memref_squeeze %dma_wait3A_221 : memref<1x128xi32, #tpu.memory_space<vmem>> -> memref<128xi32, #tpu.memory_space<vmem>>
        %dma_wait3A_223 = arith.constant 0 : i32
        %dma_wait3A_224 = arith.constant 0 : i32
        %dma_wait3A_225 = tpu.memref_slice %arg12[%dma_wait3A_223, %dma_wait3A_224] : memref<10112x64xf32, #tpu.memory_space<vmem_shared>> -> memref<10112x64xf32, #tpu.memory_space<vmem_shared>>
        tpu.wait_indirect_dma semaphore(%arg14 : memref<!tpu.dma_semaphore, #tpu.memory_space<semaphore_mem>>) src(%dma_wait3A_219 : memref<128x64xf32, #tpu.memory_space<vmem>>) dst(%dma_wait3A_225 : memref<10112x64xf32, #tpu.memory_space<vmem_shared>>)
      } else {
      }
      %add3A_188 = arith.constant 6 : i32
      %add3A_189 = arith.addi %scan3A_157, %add3A_188 : i32
      %sub3A = arith.constant 1 : i32
      %sub3A_190 = arith.subi %add3A_189, %sub3A : i32
      %lt3A_191 = arith.constant 157 : i32
      %lt3A_192 = arith.cmpi slt, %sub3A_190, %lt3A_191 : i32
      %convert_element_type3A_193 = arith.extui %lt3A_192 : i1 to i32
      %cond3A_194 = arith.constant 0 : i32
      %cond3A_195 = arith.cmpi ne, %convert_element_type3A_193, %cond3A_194 : i32
      scf.if %cond3A_195 {
        %add3A_196 = arith.constant 6 : i32
        %add3A_197 = arith.addi %scan3A_157, %add3A_196 : i32
        %sub3A_198 = arith.constant 1 : i32
        %sub3A_199 = arith.subi %add3A_197, %sub3A_198 : i32
        %add3A_200 = arith.constant 6 : i32
        %add3A_201 = arith.addi %scan3A_157, %add3A_200 : i32
        %sub3A_202 = arith.constant 1 : i32
        %sub3A_203 = arith.subi %add3A_201, %sub3A_202 : i32
        %jit3A_204 = arith.constant 6 : i32
        %eq3A_205 = arith.constant 0 : i32
        %eq3A_206 = arith.cmpi eq, %jit3A_204, %eq3A_205 : i32
        %jit3A_207 = arith.constant 1 : i32
        %select_n3A_208 = arith.select %eq3A_206, %jit3A_207, %jit3A_204 : i32
        %rem3A_209 = arith.remsi %sub3A_203, %select_n3A_208 : i32
        %ne3A_210 = arith.constant 0 : i32
        %ne3A_211 = arith.cmpi ne, %rem3A_209, %ne3A_210 : i32
        %lt3A_212 = arith.constant 0 : i32
        %lt3A_213 = arith.cmpi slt, %rem3A_209, %lt3A_212 : i32
        %lt3A_214 = arith.constant 0 : i32
        %lt3A_215 = arith.cmpi slt, %select_n3A_208, %lt3A_214 : i32
        %ne3A_216 = arith.xori %lt3A_213, %lt3A_215 : i1
        %and3A_217 = arith.andi %ne3A_216, %ne3A_211 : i1
        %add3A_218 = arith.addi %rem3A_209, %select_n3A_208 : i32
        %select_n3A_219 = arith.select %and3A_217, %add3A_218, %rem3A_209 : i32
        %dma_start3A_220 = arith.constant 0 : i32
        %dma_start3A_221 = arith.constant 0 : i32
        %dma_start3A_222 = tpu.memref_slice %arg11[%select_n3A_219, %dma_start3A_220, %dma_start3A_221] : memref<6x128x64xf32, #tpu.memory_space<vmem>> -> memref<1x128x64xf32, #tpu.memory_space<vmem>>
        %dma_start3A_223 = tpu.memref_squeeze %dma_start3A_222 : memref<1x128x64xf32, #tpu.memory_space<vmem>> -> memref<128x64xf32, #tpu.memory_space<vmem>>
        %dma_start3A_224 = arith.constant 0 : i32
        %dma_start3A_225 = tpu.memref_slice %arg9[%sub3A_199, %dma_start3A_224] : memref<157x128xi32, #tpu.memory_space<vmem>> -> memref<1x128xi32, #tpu.memory_space<vmem>>
        %dma_start3A_226 = tpu.memref_squeeze %dma_start3A_225 : memref<1x128xi32, #tpu.memory_space<vmem>> -> memref<128xi32, #tpu.memory_space<vmem>>
        %dma_start3A_227 = arith.constant 0 : i32
        %dma_start3A_228 = arith.constant 0 : i32
        %dma_start3A_229 = tpu.memref_slice %arg3[%dma_start3A_227, %dma_start3A_228] : memref<20000x64xf32, #tpu.memory_space<hbm>> -> memref<20000x64xf32, #tpu.memory_space<hbm>>
        tpu.enqueue_indirect_dma source(%dma_start3A_229 : memref<20000x64xf32, #tpu.memory_space<hbm>>) target(%dma_start3A_223 : memref<128x64xf32, #tpu.memory_space<vmem>>) offsets(%dma_start3A_226 : memref<128xi32, #tpu.memory_space<vmem>>) semaphore(%arg13 : memref<!tpu.dma_semaphore, #tpu.memory_space<semaphore_mem>>)
      } else {
      }
    }
    %scan3A_143 = arith.constant 157 : i32
    %dma_wait3A_144 = arith.constant 0 : i32
    %dma_wait3A_145 = arith.constant 156 : i32
    %dma_wait3A_146 = arith.constant 0 : i32
    %dma_wait3A_147 = arith.constant 0 : i32
    %dma_wait3A_148 = tpu.memref_slice %arg11[%dma_wait3A_144, %dma_wait3A_146, %dma_wait3A_147] : memref<6x128x64xf32, #tpu.memory_space<vmem>> -> memref<1x128x64xf32, #tpu.memory_space<vmem>>
    %dma_wait3A_149 = tpu.memref_squeeze %dma_wait3A_148 : memref<1x128x64xf32, #tpu.memory_space<vmem>> -> memref<128x64xf32, #tpu.memory_space<vmem>>
    %dma_wait3A_150 = arith.constant 0 : i32
    %dma_wait3A_151 = tpu.memref_slice %arg10[%dma_wait3A_145, %dma_wait3A_150] : memref<157x128xi32, #tpu.memory_space<vmem>> -> memref<1x128xi32, #tpu.memory_space<vmem>>
    %dma_wait3A_152 = tpu.memref_squeeze %dma_wait3A_151 : memref<1x128xi32, #tpu.memory_space<vmem>> -> memref<128xi32, #tpu.memory_space<vmem>>
    %dma_wait3A_153 = arith.constant 0 : i32
    %dma_wait3A_154 = arith.constant 0 : i32
    %dma_wait3A_155 = tpu.memref_slice %arg12[%dma_wait3A_153, %dma_wait3A_154] : memref<10112x64xf32, #tpu.memory_space<vmem_shared>> -> memref<10112x64xf32, #tpu.memory_space<vmem_shared>>
    tpu.wait_indirect_dma semaphore(%arg14 : memref<!tpu.dma_semaphore, #tpu.memory_space<semaphore_mem>>) src(%dma_wait3A_149 : memref<128x64xf32, #tpu.memory_space<vmem>>) dst(%dma_wait3A_155 : memref<10112x64xf32, #tpu.memory_space<vmem_shared>>)
    %barrier3A_156 = arith.constant 0 : index
    tpu.barrier barrier_id(%barrier3A_156)
    "tpu.region"() ({
      %run_scoped3A = tpu.sem_alloc : memref<!tpu.dma_semaphore, #tpu.memory_space<semaphore_mem>>
      %dma_start3A_157 = arith.constant 0 : i32
      %dma_start3A_158 = tpu.memref_slice %arg8[%arg0, %mul3A_0, %dma_start3A_157] : memref<2x10112x64xf32, #tpu.memory_space<hbm>> -> memref<1x632x64xf32, #tpu.memory_space<hbm>>
      %dma_start3A_159 = tpu.memref_squeeze %dma_start3A_158 : memref<1x632x64xf32, #tpu.memory_space<hbm>> -> memref<632x64xf32, #tpu.memory_space<hbm>>
      %dma_start3A_160 = arith.constant 0 : i32
      %dma_start3A_161 = tpu.memref_slice %arg12[%mul3A_0, %dma_start3A_160] : memref<10112x64xf32, #tpu.memory_space<vmem_shared>> -> memref<632x64xf32, #tpu.memory_space<vmem_shared>>
      tpu.enqueue_dma source(%dma_start3A_161 : memref<632x64xf32, #tpu.memory_space<vmem_shared>>) target(%dma_start3A_159 : memref<632x64xf32, #tpu.memory_space<hbm>>) target_semaphore(%run_scoped3A : memref<!tpu.dma_semaphore, #tpu.memory_space<semaphore_mem>>)
      %dma_wait3A_162 = arith.constant 0 : i32
      %dma_wait3A_163 = tpu.memref_slice %arg8[%arg0, %mul3A_0, %dma_wait3A_162] : memref<2x10112x64xf32, #tpu.memory_space<hbm>> -> memref<1x632x64xf32, #tpu.memory_space<hbm>>
      %dma_wait3A_164 = tpu.memref_squeeze %dma_wait3A_163 : memref<1x632x64xf32, #tpu.memory_space<hbm>> -> memref<632x64xf32, #tpu.memory_space<hbm>>
      %dma_wait3A_165 = arith.constant 0 : i32
      %dma_wait3A_166 = tpu.memref_slice %arg12[%mul3A_0, %dma_wait3A_165] : memref<10112x64xf32, #tpu.memory_space<vmem_shared>> -> memref<632x64xf32, #tpu.memory_space<vmem_shared>>
      tpu.wait_dma2 semaphore(%run_scoped3A : memref<!tpu.dma_semaphore, #tpu.memory_space<semaphore_mem>>) src(%dma_wait3A_166 : memref<632x64xf32, #tpu.memory_space<vmem_shared>>) dst(%dma_wait3A_164 : memref<632x64xf32, #tpu.memory_space<hbm>>)
      tpu.yield
    }) : () -> ()
    return
  }
}

#map = affine_map<(d0, d1) -> (0, 0)>
#map1 = affine_map<(d0, d1) -> (0, 0, 0, 0)>
#map2 = affine_map<(d0, d1) -> (0, 0, 0)>
module attributes {stable_mosaic.version = 14 : i64} {
  func.func @_seg_body(%arg0: i32, %arg1: i32, %arg2: memref<20000x64xf32, #tpu.memory_space<hbm>>, %arg3: memref<20000x64xf32, #tpu.memory_space<hbm>>, %arg4: memref<2x16x157x128xi32, #tpu.memory_space<hbm>>, %arg5: memref<2x16x157x128xi32, #tpu.memory_space<hbm>>, %arg6: memref<632x64xf32, #tpu.memory_space<hbm>>, %arg7: memref<632x16xf32, #tpu.memory_space<hbm>>, %arg8: memref<128x16xf32, #tpu.memory_space<hbm>>, %arg9: memref<2x10112x64xf32, #tpu.memory_space<hbm>>, %arg10: memref<2x10112x64xf32, #tpu.memory_space<hbm>>, %arg11: memref<2x10112x16xf32, #tpu.memory_space<hbm>>, %arg12: memref<157x128xi32, #tpu.memory_space<vmem>>, %arg13: memref<157x128xi32, #tpu.memory_space<vmem>>, %arg14: memref<4x128x64xf32, #tpu.memory_space<vmem>>, %arg15: memref<10112x64xf32, #tpu.memory_space<vmem_shared>>, %arg16: memref<128x16xf32, #tpu.memory_space<vmem>>, %arg17: memref<10112x16xf32, #tpu.memory_space<vmem_shared>>, %arg18: memref<!tpu.dma_semaphore, #tpu.memory_space<semaphore_mem>>, %arg19: memref<!tpu.dma_semaphore, #tpu.memory_space<semaphore_mem>>, %arg20: memref<!tpu.dma_semaphore, #tpu.memory_space<semaphore_mem>>) attributes {dimension_semantics = [#tpu.dimension_semantics<core_parallel>, #tpu.dimension_semantics<subcore_parallel>], iteration_bounds = array<i64: 2, 16>, scalar_prefetch = 0 : i64, scratch_operands = 9 : i64, tpu.core_type = #tpu.core_type<sc_vector_subcore>, window_params = [{transform_indices = #map}, {transform_indices = #map}, {transform_indices = #map1}, {transform_indices = #map1}, {transform_indices = #map}, {transform_indices = #map}, {transform_indices = #map}, {transform_indices = #map2}, {transform_indices = #map2}, {transform_indices = #map2}]} {
    %mul3A = arith.constant 632 : i32
    %mul3A_0 = arith.muli %arg1, %mul3A : i32
    "tpu.region"() ({
      %run_scoped3A = tpu.sem_alloc : memref<!tpu.dma_semaphore, #tpu.memory_space<semaphore_mem>>
      %dma_start3A_116 = arith.constant 0 : i32
      %dma_start3A_117 = tpu.memref_slice %arg15[%mul3A_0, %dma_start3A_116] : memref<10112x64xf32, #tpu.memory_space<vmem_shared>> -> memref<632x64xf32, #tpu.memory_space<vmem_shared>>
      tpu.enqueue_dma source(%arg6 : memref<632x64xf32, #tpu.memory_space<hbm>>) target(%dma_start3A_117 : memref<632x64xf32, #tpu.memory_space<vmem_shared>>) target_semaphore(%run_scoped3A : memref<!tpu.dma_semaphore, #tpu.memory_space<semaphore_mem>>)
      %dma_wait3A_118 = arith.constant 0 : i32
      %dma_wait3A_119 = tpu.memref_slice %arg15[%mul3A_0, %dma_wait3A_118] : memref<10112x64xf32, #tpu.memory_space<vmem_shared>> -> memref<632x64xf32, #tpu.memory_space<vmem_shared>>
      tpu.wait_dma2 semaphore(%run_scoped3A : memref<!tpu.dma_semaphore, #tpu.memory_space<semaphore_mem>>) src(%arg6 : memref<632x64xf32, #tpu.memory_space<hbm>>) dst(%dma_wait3A_119 : memref<632x64xf32, #tpu.memory_space<vmem_shared>>)
      tpu.yield
    }) : () -> ()
    "tpu.region"() ({
      %run_scoped3A = tpu.sem_alloc : memref<!tpu.dma_semaphore, #tpu.memory_space<semaphore_mem>>
      %dma_start3A_116 = arith.constant 0 : i32
      %dma_start3A_117 = arith.constant 0 : i32
      %dma_start3A_118 = tpu.memref_slice %arg4[%arg0, %arg1, %dma_start3A_116, %dma_start3A_117] : memref<2x16x157x128xi32, #tpu.memory_space<hbm>> -> memref<1x1x157x128xi32, #tpu.memory_space<hbm>>
      %dma_start3A_119 = tpu.memref_squeeze %dma_start3A_118 : memref<1x1x157x128xi32, #tpu.memory_space<hbm>> -> memref<157x128xi32, #tpu.memory_space<hbm>>
      %dma_start3A_120 = arith.constant 0 : i32
      %dma_start3A_121 = arith.constant 0 : i32
      %dma_start3A_122 = tpu.memref_slice %arg4[%arg0, %arg1, %dma_start3A_120, %dma_start3A_121] : memref<2x16x157x128xi32, #tpu.memory_space<hbm>> -> memref<1x1x157x128xi32, #tpu.memory_space<hbm>>
      %dma_start3A_123 = tpu.memref_squeeze %dma_start3A_122 : memref<1x1x157x128xi32, #tpu.memory_space<hbm>> -> memref<157x128xi32, #tpu.memory_space<hbm>>
      tpu.enqueue_dma source(%dma_start3A_123 : memref<157x128xi32, #tpu.memory_space<hbm>>) target(%arg12 : memref<157x128xi32, #tpu.memory_space<vmem>>) target_semaphore(%run_scoped3A : memref<!tpu.dma_semaphore, #tpu.memory_space<semaphore_mem>>)
      %dma_wait3A_124 = arith.constant 0 : i32
      %dma_wait3A_125 = arith.constant 0 : i32
      %dma_wait3A_126 = tpu.memref_slice %arg4[%arg0, %arg1, %dma_wait3A_124, %dma_wait3A_125] : memref<2x16x157x128xi32, #tpu.memory_space<hbm>> -> memref<1x1x157x128xi32, #tpu.memory_space<hbm>>
      %dma_wait3A_127 = tpu.memref_squeeze %dma_wait3A_126 : memref<1x1x157x128xi32, #tpu.memory_space<hbm>> -> memref<157x128xi32, #tpu.memory_space<hbm>>
      %dma_wait3A_128 = arith.constant 0 : i32
      %dma_wait3A_129 = arith.constant 0 : i32
      %dma_wait3A_130 = tpu.memref_slice %arg4[%arg0, %arg1, %dma_wait3A_128, %dma_wait3A_129] : memref<2x16x157x128xi32, #tpu.memory_space<hbm>> -> memref<1x1x157x128xi32, #tpu.memory_space<hbm>>
      %dma_wait3A_131 = tpu.memref_squeeze %dma_wait3A_130 : memref<1x1x157x128xi32, #tpu.memory_space<hbm>> -> memref<157x128xi32, #tpu.memory_space<hbm>>
      tpu.wait_dma2 semaphore(%run_scoped3A : memref<!tpu.dma_semaphore, #tpu.memory_space<semaphore_mem>>) src(%dma_wait3A_131 : memref<157x128xi32, #tpu.memory_space<hbm>>) dst(%arg12 : memref<157x128xi32, #tpu.memory_space<vmem>>)
      tpu.yield
    }) : () -> ()
    "tpu.region"() ({
      %run_scoped3A = tpu.sem_alloc : memref<!tpu.dma_semaphore, #tpu.memory_space<semaphore_mem>>
      %dma_start3A_116 = arith.constant 0 : i32
      %dma_start3A_117 = arith.constant 0 : i32
      %dma_start3A_118 = tpu.memref_slice %arg5[%arg0, %arg1, %dma_start3A_116, %dma_start3A_117] : memref<2x16x157x128xi32, #tpu.memory_space<hbm>> -> memref<1x1x157x128xi32, #tpu.memory_space<hbm>>
      %dma_start3A_119 = tpu.memref_squeeze %dma_start3A_118 : memref<1x1x157x128xi32, #tpu.memory_space<hbm>> -> memref<157x128xi32, #tpu.memory_space<hbm>>
      %dma_start3A_120 = arith.constant 0 : i32
      %dma_start3A_121 = arith.constant 0 : i32
      %dma_start3A_122 = tpu.memref_slice %arg5[%arg0, %arg1, %dma_start3A_120, %dma_start3A_121] : memref<2x16x157x128xi32, #tpu.memory_space<hbm>> -> memref<1x1x157x128xi32, #tpu.memory_space<hbm>>
      %dma_start3A_123 = tpu.memref_squeeze %dma_start3A_122 : memref<1x1x157x128xi32, #tpu.memory_space<hbm>> -> memref<157x128xi32, #tpu.memory_space<hbm>>
      tpu.enqueue_dma source(%dma_start3A_123 : memref<157x128xi32, #tpu.memory_space<hbm>>) target(%arg13 : memref<157x128xi32, #tpu.memory_space<vmem>>) target_semaphore(%run_scoped3A : memref<!tpu.dma_semaphore, #tpu.memory_space<semaphore_mem>>)
      %dma_wait3A_124 = arith.constant 0 : i32
      %dma_wait3A_125 = arith.constant 0 : i32
      %dma_wait3A_126 = tpu.memref_slice %arg5[%arg0, %arg1, %dma_wait3A_124, %dma_wait3A_125] : memref<2x16x157x128xi32, #tpu.memory_space<hbm>> -> memref<1x1x157x128xi32, #tpu.memory_space<hbm>>
      %dma_wait3A_127 = tpu.memref_squeeze %dma_wait3A_126 : memref<1x1x157x128xi32, #tpu.memory_space<hbm>> -> memref<157x128xi32, #tpu.memory_space<hbm>>
      %dma_wait3A_128 = arith.constant 0 : i32
      %dma_wait3A_129 = arith.constant 0 : i32
      %dma_wait3A_130 = tpu.memref_slice %arg5[%arg0, %arg1, %dma_wait3A_128, %dma_wait3A_129] : memref<2x16x157x128xi32, #tpu.memory_space<hbm>> -> memref<1x1x157x128xi32, #tpu.memory_space<hbm>>
      %dma_wait3A_131 = tpu.memref_squeeze %dma_wait3A_130 : memref<1x1x157x128xi32, #tpu.memory_space<hbm>> -> memref<157x128xi32, #tpu.memory_space<hbm>>
      tpu.wait_dma2 semaphore(%run_scoped3A : memref<!tpu.dma_semaphore, #tpu.memory_space<semaphore_mem>>) src(%dma_wait3A_131 : memref<157x128xi32, #tpu.memory_space<hbm>>) dst(%arg13 : memref<157x128xi32, #tpu.memory_space<vmem>>)
      tpu.yield
    }) : () -> ()
    "tpu.region"() ({
      %run_scoped3A = tpu.sem_alloc : memref<!tpu.dma_semaphore, #tpu.memory_space<semaphore_mem>>
      %dma_start3A_116 = arith.constant 0 : i32
      %dma_start3A_117 = tpu.memref_slice %arg17[%mul3A_0, %dma_start3A_116] : memref<10112x16xf32, #tpu.memory_space<vmem_shared>> -> memref<632x16xf32, #tpu.memory_space<vmem_shared>>
      tpu.enqueue_dma source(%arg7 : memref<632x16xf32, #tpu.memory_space<hbm>>) target(%dma_start3A_117 : memref<632x16xf32, #tpu.memory_space<vmem_shared>>) target_semaphore(%run_scoped3A : memref<!tpu.dma_semaphore, #tpu.memory_space<semaphore_mem>>)
      %dma_wait3A_118 = arith.constant 0 : i32
      %dma_wait3A_119 = tpu.memref_slice %arg17[%mul3A_0, %dma_wait3A_118] : memref<10112x16xf32, #tpu.memory_space<vmem_shared>> -> memref<632x16xf32, #tpu.memory_space<vmem_shared>>
      tpu.wait_dma2 semaphore(%run_scoped3A : memref<!tpu.dma_semaphore, #tpu.memory_space<semaphore_mem>>) src(%arg7 : memref<632x16xf32, #tpu.memory_space<hbm>>) dst(%dma_wait3A_119 : memref<632x16xf32, #tpu.memory_space<vmem_shared>>)
      tpu.yield
    }) : () -> ()
    "tpu.region"() ({
      %run_scoped3A = tpu.sem_alloc : memref<!tpu.dma_semaphore, #tpu.memory_space<semaphore_mem>>
      tpu.enqueue_dma source(%arg8 : memref<128x16xf32, #tpu.memory_space<hbm>>) target(%arg16 : memref<128x16xf32, #tpu.memory_space<vmem>>) target_semaphore(%run_scoped3A : memref<!tpu.dma_semaphore, #tpu.memory_space<semaphore_mem>>)
      tpu.wait_dma2 semaphore(%run_scoped3A : memref<!tpu.dma_semaphore, #tpu.memory_space<semaphore_mem>>) src(%arg8 : memref<128x16xf32, #tpu.memory_space<hbm>>) dst(%arg16 : memref<128x16xf32, #tpu.memory_space<vmem>>)
      tpu.yield
    }) : () -> ()
    %barrier3A = arith.constant 0 : index
    tpu.barrier barrier_id(%barrier3A)
    %dma_start3A = arith.constant 0 : i32
    %dma_start3A_1 = arith.constant 0 : i32
    %dma_start3A_2 = arith.constant 0 : i32
    %dma_start3A_3 = arith.constant 0 : i32
    %dma_start3A_4 = tpu.memref_slice %arg14[%dma_start3A_1, %dma_start3A_2, %dma_start3A_3] : memref<4x128x64xf32, #tpu.memory_space<vmem>> -> memref<1x128x64xf32, #tpu.memory_space<vmem>>
    %dma_start3A_5 = tpu.memref_squeeze %dma_start3A_4 : memref<1x128x64xf32, #tpu.memory_space<vmem>> -> memref<128x64xf32, #tpu.memory_space<vmem>>
    %dma_start3A_6 = arith.constant 0 : i32
    %dma_start3A_7 = tpu.memref_slice %arg12[%dma_start3A, %dma_start3A_6] : memref<157x128xi32, #tpu.memory_space<vmem>> -> memref<1x128xi32, #tpu.memory_space<vmem>>
    %dma_start3A_8 = tpu.memref_squeeze %dma_start3A_7 : memref<1x128xi32, #tpu.memory_space<vmem>> -> memref<128xi32, #tpu.memory_space<vmem>>
    %dma_start3A_9 = arith.constant 0 : i32
    %dma_start3A_10 = arith.constant 0 : i32
    %dma_start3A_11 = tpu.memref_slice %arg2[%dma_start3A_9, %dma_start3A_10] : memref<20000x64xf32, #tpu.memory_space<hbm>> -> memref<20000x64xf32, #tpu.memory_space<hbm>>
    tpu.enqueue_indirect_dma source(%dma_start3A_11 : memref<20000x64xf32, #tpu.memory_space<hbm>>) target(%dma_start3A_5 : memref<128x64xf32, #tpu.memory_space<vmem>>) offsets(%dma_start3A_8 : memref<128xi32, #tpu.memory_space<vmem>>) semaphore(%arg18 : memref<!tpu.dma_semaphore, #tpu.memory_space<semaphore_mem>>)
    %dma_start3A_12 = arith.constant 1 : i32
    %dma_start3A_13 = arith.constant 1 : i32
    %dma_start3A_14 = arith.constant 0 : i32
    %dma_start3A_15 = arith.constant 0 : i32
    %dma_start3A_16 = tpu.memref_slice %arg14[%dma_start3A_13, %dma_start3A_14, %dma_start3A_15] : memref<4x128x64xf32, #tpu.memory_space<vmem>> -> memref<1x128x64xf32, #tpu.memory_space<vmem>>
    %dma_start3A_17 = tpu.memref_squeeze %dma_start3A_16 : memref<1x128x64xf32, #tpu.memory_space<vmem>> -> memref<128x64xf32, #tpu.memory_space<vmem>>
    %dma_start3A_18 = arith.constant 0 : i32
    %dma_start3A_19 = tpu.memref_slice %arg12[%dma_start3A_12, %dma_start3A_18] : memref<157x128xi32, #tpu.memory_space<vmem>> -> memref<1x128xi32, #tpu.memory_space<vmem>>
    %dma_start3A_20 = tpu.memref_squeeze %dma_start3A_19 : memref<1x128xi32, #tpu.memory_space<vmem>> -> memref<128xi32, #tpu.memory_space<vmem>>
    %dma_start3A_21 = arith.constant 0 : i32
    %dma_start3A_22 = arith.constant 0 : i32
    %dma_start3A_23 = tpu.memref_slice %arg2[%dma_start3A_21, %dma_start3A_22] : memref<20000x64xf32, #tpu.memory_space<hbm>> -> memref<20000x64xf32, #tpu.memory_space<hbm>>
    tpu.enqueue_indirect_dma source(%dma_start3A_23 : memref<20000x64xf32, #tpu.memory_space<hbm>>) target(%dma_start3A_17 : memref<128x64xf32, #tpu.memory_space<vmem>>) offsets(%dma_start3A_20 : memref<128xi32, #tpu.memory_space<vmem>>) semaphore(%arg18 : memref<!tpu.dma_semaphore, #tpu.memory_space<semaphore_mem>>)
    %dma_start3A_24 = arith.constant 2 : i32
    %dma_start3A_25 = arith.constant 2 : i32
    %dma_start3A_26 = arith.constant 0 : i32
    %dma_start3A_27 = arith.constant 0 : i32
    %dma_start3A_28 = tpu.memref_slice %arg14[%dma_start3A_25, %dma_start3A_26, %dma_start3A_27] : memref<4x128x64xf32, #tpu.memory_space<vmem>> -> memref<1x128x64xf32, #tpu.memory_space<vmem>>
    %dma_start3A_29 = tpu.memref_squeeze %dma_start3A_28 : memref<1x128x64xf32, #tpu.memory_space<vmem>> -> memref<128x64xf32, #tpu.memory_space<vmem>>
    %dma_start3A_30 = arith.constant 0 : i32
    %dma_start3A_31 = tpu.memref_slice %arg12[%dma_start3A_24, %dma_start3A_30] : memref<157x128xi32, #tpu.memory_space<vmem>> -> memref<1x128xi32, #tpu.memory_space<vmem>>
    %dma_start3A_32 = tpu.memref_squeeze %dma_start3A_31 : memref<1x128xi32, #tpu.memory_space<vmem>> -> memref<128xi32, #tpu.memory_space<vmem>>
    %dma_start3A_33 = arith.constant 0 : i32
    %dma_start3A_34 = arith.constant 0 : i32
    %dma_start3A_35 = tpu.memref_slice %arg2[%dma_start3A_33, %dma_start3A_34] : memref<20000x64xf32, #tpu.memory_space<hbm>> -> memref<20000x64xf32, #tpu.memory_space<hbm>>
    tpu.enqueue_indirect_dma source(%dma_start3A_35 : memref<20000x64xf32, #tpu.memory_space<hbm>>) target(%dma_start3A_29 : memref<128x64xf32, #tpu.memory_space<vmem>>) offsets(%dma_start3A_32 : memref<128xi32, #tpu.memory_space<vmem>>) semaphore(%arg18 : memref<!tpu.dma_semaphore, #tpu.memory_space<semaphore_mem>>)
    %scan3A = arith.constant 0 : i32
    %scan3A_36 = arith.constant 0 : i32
    %scan3A_37 = arith.constant 157 : i32
    %scan3A_38 = arith.addi %scan3A_36, %scan3A_37 : i32
    %scan3A_39 = arith.constant 1 : i32
    scf.for %scan3A_116 = %scan3A_36 to %scan3A_38 step %scan3A_39  : i32 {
      %jit3A = arith.constant 4 : i32
      %eq3A = arith.constant 0 : i32
      %eq3A_117 = arith.cmpi eq, %jit3A, %eq3A : i32
      %jit3A_118 = arith.constant 1 : i32
      %select_n3A = arith.select %eq3A_117, %jit3A_118, %jit3A : i32
      %rem3A = arith.remsi %scan3A_116, %select_n3A : i32
      %ne3A = arith.constant 0 : i32
      %ne3A_119 = arith.cmpi ne, %rem3A, %ne3A : i32
      %lt3A = arith.constant 0 : i32
      %lt3A_120 = arith.cmpi slt, %rem3A, %lt3A : i32
      %lt3A_121 = arith.constant 0 : i32
      %lt3A_122 = arith.cmpi slt, %select_n3A, %lt3A_121 : i32
      %ne3A_123 = arith.xori %lt3A_120, %lt3A_122 : i1
      %and3A = arith.andi %ne3A_123, %ne3A_119 : i1
      %add3A = arith.addi %rem3A, %select_n3A : i32
      %select_n3A_124 = arith.select %and3A, %add3A, %rem3A : i32
      %dma_wait3A_125 = arith.constant 0 : i32
      %dma_wait3A_126 = arith.constant 0 : i32
      %dma_wait3A_127 = tpu.memref_slice %arg14[%select_n3A_124, %dma_wait3A_125, %dma_wait3A_126] : memref<4x128x64xf32, #tpu.memory_space<vmem>> -> memref<1x128x64xf32, #tpu.memory_space<vmem>>
      %dma_wait3A_128 = tpu.memref_squeeze %dma_wait3A_127 : memref<1x128x64xf32, #tpu.memory_space<vmem>> -> memref<128x64xf32, #tpu.memory_space<vmem>>
      %dma_wait3A_129 = arith.constant 0 : i32
      %dma_wait3A_130 = tpu.memref_slice %arg12[%scan3A_116, %dma_wait3A_129] : memref<157x128xi32, #tpu.memory_space<vmem>> -> memref<1x128xi32, #tpu.memory_space<vmem>>
      %dma_wait3A_131 = tpu.memref_squeeze %dma_wait3A_130 : memref<1x128xi32, #tpu.memory_space<vmem>> -> memref<128xi32, #tpu.memory_space<vmem>>
      %dma_wait3A_132 = arith.constant 0 : i32
      %dma_wait3A_133 = arith.constant 0 : i32
      %dma_wait3A_134 = tpu.memref_slice %arg2[%dma_wait3A_132, %dma_wait3A_133] : memref<20000x64xf32, #tpu.memory_space<hbm>> -> memref<20000x64xf32, #tpu.memory_space<hbm>>
      tpu.wait_indirect_dma semaphore(%arg18 : memref<!tpu.dma_semaphore, #tpu.memory_space<semaphore_mem>>) src(%dma_wait3A_134 : memref<20000x64xf32, #tpu.memory_space<hbm>>) dst(%dma_wait3A_128 : memref<128x64xf32, #tpu.memory_space<vmem>>)
      %dma_start3A_135 = arith.constant 0 : i32
      %dma_start3A_136 = arith.constant 0 : i32
      %dma_start3A_137 = tpu.memref_slice %arg14[%select_n3A_124, %dma_start3A_135, %dma_start3A_136] : memref<4x128x64xf32, #tpu.memory_space<vmem>> -> memref<1x128x64xf32, #tpu.memory_space<vmem>>
      %dma_start3A_138 = tpu.memref_squeeze %dma_start3A_137 : memref<1x128x64xf32, #tpu.memory_space<vmem>> -> memref<128x64xf32, #tpu.memory_space<vmem>>
      %dma_start3A_139 = arith.constant 0 : i32
      %dma_start3A_140 = tpu.memref_slice %arg13[%scan3A_116, %dma_start3A_139] : memref<157x128xi32, #tpu.memory_space<vmem>> -> memref<1x128xi32, #tpu.memory_space<vmem>>
      %dma_start3A_141 = tpu.memref_squeeze %dma_start3A_140 : memref<1x128xi32, #tpu.memory_space<vmem>> -> memref<128xi32, #tpu.memory_space<vmem>>
      %dma_start3A_142 = arith.constant 0 : i32
      %dma_start3A_143 = arith.constant 0 : i32
      %dma_start3A_144 = tpu.memref_slice %arg15[%dma_start3A_142, %dma_start3A_143] : memref<10112x64xf32, #tpu.memory_space<vmem_shared>> -> memref<10112x64xf32, #tpu.memory_space<vmem_shared>>
      tpu.enqueue_indirect_dma source(%dma_start3A_138 : memref<128x64xf32, #tpu.memory_space<vmem>>) target(%dma_start3A_144 : memref<10112x64xf32, #tpu.memory_space<vmem_shared>>) offsets(%dma_start3A_141 : memref<128xi32, #tpu.memory_space<vmem>>) semaphore(%arg19 : memref<!tpu.dma_semaphore, #tpu.memory_space<semaphore_mem>>) {add = true}
      %dma_start3A_145 = arith.constant 0 : i32
      %dma_start3A_146 = tpu.memref_slice %arg13[%scan3A_116, %dma_start3A_145] : memref<157x128xi32, #tpu.memory_space<vmem>> -> memref<1x128xi32, #tpu.memory_space<vmem>>
      %dma_start3A_147 = tpu.memref_squeeze %dma_start3A_146 : memref<1x128xi32, #tpu.memory_space<vmem>> -> memref<128xi32, #tpu.memory_space<vmem>>
      %dma_start3A_148 = arith.constant 0 : i32
      %dma_start3A_149 = arith.constant 0 : i32
      %dma_start3A_150 = tpu.memref_slice %arg17[%dma_start3A_148, %dma_start3A_149] : memref<10112x16xf32, #tpu.memory_space<vmem_shared>> -> memref<10112x16xf32, #tpu.memory_space<vmem_shared>>
      tpu.enqueue_indirect_dma source(%arg16 : memref<128x16xf32, #tpu.memory_space<vmem>>) target(%dma_start3A_150 : memref<10112x16xf32, #tpu.memory_space<vmem_shared>>) offsets(%dma_start3A_147 : memref<128xi32, #tpu.memory_space<vmem>>) semaphore(%arg20 : memref<!tpu.dma_semaphore, #tpu.memory_space<semaphore_mem>>) {add = true}
      %ge3A = arith.constant 1 : i32
      %ge3A_151 = arith.cmpi sge, %scan3A_116, %ge3A : i32
      %convert_element_type3A = arith.extui %ge3A_151 : i1 to i32
      %cond3A = arith.constant 0 : i32
      %cond3A_152 = arith.cmpi ne, %convert_element_type3A, %cond3A : i32
      scf.if %cond3A_152 {
        %sub3A_161 = arith.constant 1 : i32
        %sub3A_162 = arith.subi %scan3A_116, %sub3A_161 : i32
        %jit3A_163 = arith.constant 4 : i32
        %eq3A_164 = arith.constant 0 : i32
        %eq3A_165 = arith.cmpi eq, %jit3A_163, %eq3A_164 : i32
        %jit3A_166 = arith.constant 1 : i32
        %select_n3A_167 = arith.select %eq3A_165, %jit3A_166, %jit3A_163 : i32
        %rem3A_168 = arith.remsi %sub3A_162, %select_n3A_167 : i32
        %ne3A_169 = arith.constant 0 : i32
        %ne3A_170 = arith.cmpi ne, %rem3A_168, %ne3A_169 : i32
        %lt3A_171 = arith.constant 0 : i32
        %lt3A_172 = arith.cmpi slt, %rem3A_168, %lt3A_171 : i32
        %lt3A_173 = arith.constant 0 : i32
        %lt3A_174 = arith.cmpi slt, %select_n3A_167, %lt3A_173 : i32
        %ne3A_175 = arith.xori %lt3A_172, %lt3A_174 : i1
        %and3A_176 = arith.andi %ne3A_175, %ne3A_170 : i1
        %add3A_177 = arith.addi %rem3A_168, %select_n3A_167 : i32
        %select_n3A_178 = arith.select %and3A_176, %add3A_177, %rem3A_168 : i32
        %sub3A_179 = arith.constant 1 : i32
        %sub3A_180 = arith.subi %scan3A_116, %sub3A_179 : i32
        %dma_wait3A_181 = arith.constant 0 : i32
        %dma_wait3A_182 = arith.constant 0 : i32
        %dma_wait3A_183 = tpu.memref_slice %arg14[%select_n3A_178, %dma_wait3A_181, %dma_wait3A_182] : memref<4x128x64xf32, #tpu.memory_space<vmem>> -> memref<1x128x64xf32, #tpu.memory_space<vmem>>
        %dma_wait3A_184 = tpu.memref_squeeze %dma_wait3A_183 : memref<1x128x64xf32, #tpu.memory_space<vmem>> -> memref<128x64xf32, #tpu.memory_space<vmem>>
        %dma_wait3A_185 = arith.constant 0 : i32
        %dma_wait3A_186 = tpu.memref_slice %arg13[%sub3A_180, %dma_wait3A_185] : memref<157x128xi32, #tpu.memory_space<vmem>> -> memref<1x128xi32, #tpu.memory_space<vmem>>
        %dma_wait3A_187 = tpu.memref_squeeze %dma_wait3A_186 : memref<1x128xi32, #tpu.memory_space<vmem>> -> memref<128xi32, #tpu.memory_space<vmem>>
        %dma_wait3A_188 = arith.constant 0 : i32
        %dma_wait3A_189 = arith.constant 0 : i32
        %dma_wait3A_190 = tpu.memref_slice %arg15[%dma_wait3A_188, %dma_wait3A_189] : memref<10112x64xf32, #tpu.memory_space<vmem_shared>> -> memref<10112x64xf32, #tpu.memory_space<vmem_shared>>
        tpu.wait_indirect_dma semaphore(%arg19 : memref<!tpu.dma_semaphore, #tpu.memory_space<semaphore_mem>>) src(%dma_wait3A_184 : memref<128x64xf32, #tpu.memory_space<vmem>>) dst(%dma_wait3A_190 : memref<10112x64xf32, #tpu.memory_space<vmem_shared>>)
        %sub3A_191 = arith.constant 1 : i32
        %sub3A_192 = arith.subi %scan3A_116, %sub3A_191 : i32
        %dma_wait3A_193 = arith.constant 0 : i32
        %dma_wait3A_194 = tpu.memref_slice %arg13[%sub3A_192, %dma_wait3A_193] : memref<157x128xi32, #tpu.memory_space<vmem>> -> memref<1x128xi32, #tpu.memory_space<vmem>>
        %dma_wait3A_195 = tpu.memref_squeeze %dma_wait3A_194 : memref<1x128xi32, #tpu.memory_space<vmem>> -> memref<128xi32, #tpu.memory_space<vmem>>
        %dma_wait3A_196 = arith.constant 0 : i32
        %dma_wait3A_197 = arith.constant 0 : i32
        %dma_wait3A_198 = tpu.memref_slice %arg17[%dma_wait3A_196, %dma_wait3A_197] : memref<10112x16xf32, #tpu.memory_space<vmem_shared>> -> memref<10112x16xf32, #tpu.memory_space<vmem_shared>>
        tpu.wait_indirect_dma semaphore(%arg20 : memref<!tpu.dma_semaphore, #tpu.memory_space<semaphore_mem>>) src(%arg16 : memref<128x16xf32, #tpu.memory_space<vmem>>) dst(%dma_wait3A_198 : memref<10112x16xf32, #tpu.memory_space<vmem_shared>>)
      } else {
      }
      %add3A_153 = arith.constant 4 : i32
      %add3A_154 = arith.addi %scan3A_116, %add3A_153 : i32
      %sub3A = arith.constant 1 : i32
      %sub3A_155 = arith.subi %add3A_154, %sub3A : i32
      %lt3A_156 = arith.constant 157 : i32
      %lt3A_157 = arith.cmpi slt, %sub3A_155, %lt3A_156 : i32
      %convert_element_type3A_158 = arith.extui %lt3A_157 : i1 to i32
      %cond3A_159 = arith.constant 0 : i32
      %cond3A_160 = arith.cmpi ne, %convert_element_type3A_158, %cond3A_159 : i32
      scf.if %cond3A_160 {
        %add3A_161 = arith.constant 4 : i32
        %add3A_162 = arith.addi %scan3A_116, %add3A_161 : i32
        %sub3A_163 = arith.constant 1 : i32
        %sub3A_164 = arith.subi %add3A_162, %sub3A_163 : i32
        %add3A_165 = arith.constant 4 : i32
        %add3A_166 = arith.addi %scan3A_116, %add3A_165 : i32
        %sub3A_167 = arith.constant 1 : i32
        %sub3A_168 = arith.subi %add3A_166, %sub3A_167 : i32
        %jit3A_169 = arith.constant 4 : i32
        %eq3A_170 = arith.constant 0 : i32
        %eq3A_171 = arith.cmpi eq, %jit3A_169, %eq3A_170 : i32
        %jit3A_172 = arith.constant 1 : i32
        %select_n3A_173 = arith.select %eq3A_171, %jit3A_172, %jit3A_169 : i32
        %rem3A_174 = arith.remsi %sub3A_168, %select_n3A_173 : i32
        %ne3A_175 = arith.constant 0 : i32
        %ne3A_176 = arith.cmpi ne, %rem3A_174, %ne3A_175 : i32
        %lt3A_177 = arith.constant 0 : i32
        %lt3A_178 = arith.cmpi slt, %rem3A_174, %lt3A_177 : i32
        %lt3A_179 = arith.constant 0 : i32
        %lt3A_180 = arith.cmpi slt, %select_n3A_173, %lt3A_179 : i32
        %ne3A_181 = arith.xori %lt3A_178, %lt3A_180 : i1
        %and3A_182 = arith.andi %ne3A_181, %ne3A_176 : i1
        %add3A_183 = arith.addi %rem3A_174, %select_n3A_173 : i32
        %select_n3A_184 = arith.select %and3A_182, %add3A_183, %rem3A_174 : i32
        %dma_start3A_185 = arith.constant 0 : i32
        %dma_start3A_186 = arith.constant 0 : i32
        %dma_start3A_187 = tpu.memref_slice %arg14[%select_n3A_184, %dma_start3A_185, %dma_start3A_186] : memref<4x128x64xf32, #tpu.memory_space<vmem>> -> memref<1x128x64xf32, #tpu.memory_space<vmem>>
        %dma_start3A_188 = tpu.memref_squeeze %dma_start3A_187 : memref<1x128x64xf32, #tpu.memory_space<vmem>> -> memref<128x64xf32, #tpu.memory_space<vmem>>
        %dma_start3A_189 = arith.constant 0 : i32
        %dma_start3A_190 = tpu.memref_slice %arg12[%sub3A_164, %dma_start3A_189] : memref<157x128xi32, #tpu.memory_space<vmem>> -> memref<1x128xi32, #tpu.memory_space<vmem>>
        %dma_start3A_191 = tpu.memref_squeeze %dma_start3A_190 : memref<1x128xi32, #tpu.memory_space<vmem>> -> memref<128xi32, #tpu.memory_space<vmem>>
        %dma_start3A_192 = arith.constant 0 : i32
        %dma_start3A_193 = arith.constant 0 : i32
        %dma_start3A_194 = tpu.memref_slice %arg2[%dma_start3A_192, %dma_start3A_193] : memref<20000x64xf32, #tpu.memory_space<hbm>> -> memref<20000x64xf32, #tpu.memory_space<hbm>>
        tpu.enqueue_indirect_dma source(%dma_start3A_194 : memref<20000x64xf32, #tpu.memory_space<hbm>>) target(%dma_start3A_188 : memref<128x64xf32, #tpu.memory_space<vmem>>) offsets(%dma_start3A_191 : memref<128xi32, #tpu.memory_space<vmem>>) semaphore(%arg18 : memref<!tpu.dma_semaphore, #tpu.memory_space<semaphore_mem>>)
      } else {
      }
    }
    %scan3A_40 = arith.constant 157 : i32
    %dma_wait3A = arith.constant 0 : i32
    %dma_wait3A_41 = arith.constant 156 : i32
    %dma_wait3A_42 = arith.constant 0 : i32
    %dma_wait3A_43 = arith.constant 0 : i32
    %dma_wait3A_44 = tpu.memref_slice %arg14[%dma_wait3A, %dma_wait3A_42, %dma_wait3A_43] : memref<4x128x64xf32, #tpu.memory_space<vmem>> -> memref<1x128x64xf32, #tpu.memory_space<vmem>>
    %dma_wait3A_45 = tpu.memref_squeeze %dma_wait3A_44 : memref<1x128x64xf32, #tpu.memory_space<vmem>> -> memref<128x64xf32, #tpu.memory_space<vmem>>
    %dma_wait3A_46 = arith.constant 0 : i32
    %dma_wait3A_47 = tpu.memref_slice %arg13[%dma_wait3A_41, %dma_wait3A_46] : memref<157x128xi32, #tpu.memory_space<vmem>> -> memref<1x128xi32, #tpu.memory_space<vmem>>
    %dma_wait3A_48 = tpu.memref_squeeze %dma_wait3A_47 : memref<1x128xi32, #tpu.memory_space<vmem>> -> memref<128xi32, #tpu.memory_space<vmem>>
    %dma_wait3A_49 = arith.constant 0 : i32
    %dma_wait3A_50 = arith.constant 0 : i32
    %dma_wait3A_51 = tpu.memref_slice %arg15[%dma_wait3A_49, %dma_wait3A_50] : memref<10112x64xf32, #tpu.memory_space<vmem_shared>> -> memref<10112x64xf32, #tpu.memory_space<vmem_shared>>
    tpu.wait_indirect_dma semaphore(%arg19 : memref<!tpu.dma_semaphore, #tpu.memory_space<semaphore_mem>>) src(%dma_wait3A_45 : memref<128x64xf32, #tpu.memory_space<vmem>>) dst(%dma_wait3A_51 : memref<10112x64xf32, #tpu.memory_space<vmem_shared>>)
    %dma_wait3A_52 = arith.constant 156 : i32
    %dma_wait3A_53 = arith.constant 0 : i32
    %dma_wait3A_54 = tpu.memref_slice %arg13[%dma_wait3A_52, %dma_wait3A_53] : memref<157x128xi32, #tpu.memory_space<vmem>> -> memref<1x128xi32, #tpu.memory_space<vmem>>
    %dma_wait3A_55 = tpu.memref_squeeze %dma_wait3A_54 : memref<1x128xi32, #tpu.memory_space<vmem>> -> memref<128xi32, #tpu.memory_space<vmem>>
    %dma_wait3A_56 = arith.constant 0 : i32
    %dma_wait3A_57 = arith.constant 0 : i32
    %dma_wait3A_58 = tpu.memref_slice %arg17[%dma_wait3A_56, %dma_wait3A_57] : memref<10112x16xf32, #tpu.memory_space<vmem_shared>> -> memref<10112x16xf32, #tpu.memory_space<vmem_shared>>
    tpu.wait_indirect_dma semaphore(%arg20 : memref<!tpu.dma_semaphore, #tpu.memory_space<semaphore_mem>>) src(%arg16 : memref<128x16xf32, #tpu.memory_space<vmem>>) dst(%dma_wait3A_58 : memref<10112x16xf32, #tpu.memory_space<vmem_shared>>)
    %barrier3A_59 = arith.constant 0 : index
    tpu.barrier barrier_id(%barrier3A_59)
    "tpu.region"() ({
      %run_scoped3A = tpu.sem_alloc : memref<!tpu.dma_semaphore, #tpu.memory_space<semaphore_mem>>
      %dma_start3A_116 = arith.constant 0 : i32
      %dma_start3A_117 = tpu.memref_slice %arg9[%arg0, %mul3A_0, %dma_start3A_116] : memref<2x10112x64xf32, #tpu.memory_space<hbm>> -> memref<1x632x64xf32, #tpu.memory_space<hbm>>
      %dma_start3A_118 = tpu.memref_squeeze %dma_start3A_117 : memref<1x632x64xf32, #tpu.memory_space<hbm>> -> memref<632x64xf32, #tpu.memory_space<hbm>>
      %dma_start3A_119 = arith.constant 0 : i32
      %dma_start3A_120 = tpu.memref_slice %arg15[%mul3A_0, %dma_start3A_119] : memref<10112x64xf32, #tpu.memory_space<vmem_shared>> -> memref<632x64xf32, #tpu.memory_space<vmem_shared>>
      tpu.enqueue_dma source(%dma_start3A_120 : memref<632x64xf32, #tpu.memory_space<vmem_shared>>) target(%dma_start3A_118 : memref<632x64xf32, #tpu.memory_space<hbm>>) target_semaphore(%run_scoped3A : memref<!tpu.dma_semaphore, #tpu.memory_space<semaphore_mem>>)
      %dma_wait3A_121 = arith.constant 0 : i32
      %dma_wait3A_122 = tpu.memref_slice %arg9[%arg0, %mul3A_0, %dma_wait3A_121] : memref<2x10112x64xf32, #tpu.memory_space<hbm>> -> memref<1x632x64xf32, #tpu.memory_space<hbm>>
      %dma_wait3A_123 = tpu.memref_squeeze %dma_wait3A_122 : memref<1x632x64xf32, #tpu.memory_space<hbm>> -> memref<632x64xf32, #tpu.memory_space<hbm>>
      %dma_wait3A_124 = arith.constant 0 : i32
      %dma_wait3A_125 = tpu.memref_slice %arg15[%mul3A_0, %dma_wait3A_124] : memref<10112x64xf32, #tpu.memory_space<vmem_shared>> -> memref<632x64xf32, #tpu.memory_space<vmem_shared>>
      tpu.wait_dma2 semaphore(%run_scoped3A : memref<!tpu.dma_semaphore, #tpu.memory_space<semaphore_mem>>) src(%dma_wait3A_125 : memref<632x64xf32, #tpu.memory_space<vmem_shared>>) dst(%dma_wait3A_123 : memref<632x64xf32, #tpu.memory_space<hbm>>)
      tpu.yield
    }) : () -> ()
    "tpu.region"() ({
      %run_scoped3A = tpu.sem_alloc : memref<!tpu.dma_semaphore, #tpu.memory_space<semaphore_mem>>
      %dma_start3A_116 = arith.constant 0 : i32
      %dma_start3A_117 = tpu.memref_slice %arg11[%arg0, %mul3A_0, %dma_start3A_116] : memref<2x10112x16xf32, #tpu.memory_space<hbm>> -> memref<1x632x16xf32, #tpu.memory_space<hbm>>
      %dma_start3A_118 = tpu.memref_squeeze %dma_start3A_117 : memref<1x632x16xf32, #tpu.memory_space<hbm>> -> memref<632x16xf32, #tpu.memory_space<hbm>>
      %dma_start3A_119 = arith.constant 0 : i32
      %dma_start3A_120 = tpu.memref_slice %arg17[%mul3A_0, %dma_start3A_119] : memref<10112x16xf32, #tpu.memory_space<vmem_shared>> -> memref<632x16xf32, #tpu.memory_space<vmem_shared>>
      tpu.enqueue_dma source(%dma_start3A_120 : memref<632x16xf32, #tpu.memory_space<vmem_shared>>) target(%dma_start3A_118 : memref<632x16xf32, #tpu.memory_space<hbm>>) target_semaphore(%run_scoped3A : memref<!tpu.dma_semaphore, #tpu.memory_space<semaphore_mem>>)
      %dma_wait3A_121 = arith.constant 0 : i32
      %dma_wait3A_122 = tpu.memref_slice %arg11[%arg0, %mul3A_0, %dma_wait3A_121] : memref<2x10112x16xf32, #tpu.memory_space<hbm>> -> memref<1x632x16xf32, #tpu.memory_space<hbm>>
      %dma_wait3A_123 = tpu.memref_squeeze %dma_wait3A_122 : memref<1x632x16xf32, #tpu.memory_space<hbm>> -> memref<632x16xf32, #tpu.memory_space<hbm>>
      %dma_wait3A_124 = arith.constant 0 : i32
      %dma_wait3A_125 = tpu.memref_slice %arg17[%mul3A_0, %dma_wait3A_124] : memref<10112x16xf32, #tpu.memory_space<vmem_shared>> -> memref<632x16xf32, #tpu.memory_space<vmem_shared>>
      tpu.wait_dma2 semaphore(%run_scoped3A : memref<!tpu.dma_semaphore, #tpu.memory_space<semaphore_mem>>) src(%dma_wait3A_125 : memref<632x16xf32, #tpu.memory_space<vmem_shared>>) dst(%dma_wait3A_123 : memref<632x16xf32, #tpu.memory_space<hbm>>)
      tpu.yield
    }) : () -> ()
    "tpu.region"() ({
      %run_scoped3A = tpu.sem_alloc : memref<!tpu.dma_semaphore, #tpu.memory_space<semaphore_mem>>
      %dma_start3A_116 = arith.constant 0 : i32
      %dma_start3A_117 = tpu.memref_slice %arg15[%mul3A_0, %dma_start3A_116] : memref<10112x64xf32, #tpu.memory_space<vmem_shared>> -> memref<632x64xf32, #tpu.memory_space<vmem_shared>>
      tpu.enqueue_dma source(%arg6 : memref<632x64xf32, #tpu.memory_space<hbm>>) target(%dma_start3A_117 : memref<632x64xf32, #tpu.memory_space<vmem_shared>>) target_semaphore(%run_scoped3A : memref<!tpu.dma_semaphore, #tpu.memory_space<semaphore_mem>>)
      %dma_wait3A_118 = arith.constant 0 : i32
      %dma_wait3A_119 = tpu.memref_slice %arg15[%mul3A_0, %dma_wait3A_118] : memref<10112x64xf32, #tpu.memory_space<vmem_shared>> -> memref<632x64xf32, #tpu.memory_space<vmem_shared>>
      tpu.wait_dma2 semaphore(%run_scoped3A : memref<!tpu.dma_semaphore, #tpu.memory_space<semaphore_mem>>) src(%arg6 : memref<632x64xf32, #tpu.memory_space<hbm>>) dst(%dma_wait3A_119 : memref<632x64xf32, #tpu.memory_space<vmem_shared>>)
      tpu.yield
    }) : () -> ()
    %barrier3A_60 = arith.constant 0 : index
    tpu.barrier barrier_id(%barrier3A_60)
    %dma_start3A_61 = arith.constant 0 : i32
    %dma_start3A_62 = arith.constant 0 : i32
    %dma_start3A_63 = arith.constant 0 : i32
    %dma_start3A_64 = arith.constant 0 : i32
    %dma_start3A_65 = tpu.memref_slice %arg14[%dma_start3A_62, %dma_start3A_63, %dma_start3A_64] : memref<4x128x64xf32, #tpu.memory_space<vmem>> -> memref<1x128x64xf32, #tpu.memory_space<vmem>>
    %dma_start3A_66 = tpu.memref_squeeze %dma_start3A_65 : memref<1x128x64xf32, #tpu.memory_space<vmem>> -> memref<128x64xf32, #tpu.memory_space<vmem>>
    %dma_start3A_67 = arith.constant 0 : i32
    %dma_start3A_68 = tpu.memref_slice %arg12[%dma_start3A_61, %dma_start3A_67] : memref<157x128xi32, #tpu.memory_space<vmem>> -> memref<1x128xi32, #tpu.memory_space<vmem>>
    %dma_start3A_69 = tpu.memref_squeeze %dma_start3A_68 : memref<1x128xi32, #tpu.memory_space<vmem>> -> memref<128xi32, #tpu.memory_space<vmem>>
    %dma_start3A_70 = arith.constant 0 : i32
    %dma_start3A_71 = arith.constant 0 : i32
    %dma_start3A_72 = tpu.memref_slice %arg3[%dma_start3A_70, %dma_start3A_71] : memref<20000x64xf32, #tpu.memory_space<hbm>> -> memref<20000x64xf32, #tpu.memory_space<hbm>>
    tpu.enqueue_indirect_dma source(%dma_start3A_72 : memref<20000x64xf32, #tpu.memory_space<hbm>>) target(%dma_start3A_66 : memref<128x64xf32, #tpu.memory_space<vmem>>) offsets(%dma_start3A_69 : memref<128xi32, #tpu.memory_space<vmem>>) semaphore(%arg18 : memref<!tpu.dma_semaphore, #tpu.memory_space<semaphore_mem>>)
    %dma_start3A_73 = arith.constant 1 : i32
    %dma_start3A_74 = arith.constant 1 : i32
    %dma_start3A_75 = arith.constant 0 : i32
    %dma_start3A_76 = arith.constant 0 : i32
    %dma_start3A_77 = tpu.memref_slice %arg14[%dma_start3A_74, %dma_start3A_75, %dma_start3A_76] : memref<4x128x64xf32, #tpu.memory_space<vmem>> -> memref<1x128x64xf32, #tpu.memory_space<vmem>>
    %dma_start3A_78 = tpu.memref_squeeze %dma_start3A_77 : memref<1x128x64xf32, #tpu.memory_space<vmem>> -> memref<128x64xf32, #tpu.memory_space<vmem>>
    %dma_start3A_79 = arith.constant 0 : i32
    %dma_start3A_80 = tpu.memref_slice %arg12[%dma_start3A_73, %dma_start3A_79] : memref<157x128xi32, #tpu.memory_space<vmem>> -> memref<1x128xi32, #tpu.memory_space<vmem>>
    %dma_start3A_81 = tpu.memref_squeeze %dma_start3A_80 : memref<1x128xi32, #tpu.memory_space<vmem>> -> memref<128xi32, #tpu.memory_space<vmem>>
    %dma_start3A_82 = arith.constant 0 : i32
    %dma_start3A_83 = arith.constant 0 : i32
    %dma_start3A_84 = tpu.memref_slice %arg3[%dma_start3A_82, %dma_start3A_83] : memref<20000x64xf32, #tpu.memory_space<hbm>> -> memref<20000x64xf32, #tpu.memory_space<hbm>>
    tpu.enqueue_indirect_dma source(%dma_start3A_84 : memref<20000x64xf32, #tpu.memory_space<hbm>>) target(%dma_start3A_78 : memref<128x64xf32, #tpu.memory_space<vmem>>) offsets(%dma_start3A_81 : memref<128xi32, #tpu.memory_space<vmem>>) semaphore(%arg18 : memref<!tpu.dma_semaphore, #tpu.memory_space<semaphore_mem>>)
    %dma_start3A_85 = arith.constant 2 : i32
    %dma_start3A_86 = arith.constant 2 : i32
    %dma_start3A_87 = arith.constant 0 : i32
    %dma_start3A_88 = arith.constant 0 : i32
    %dma_start3A_89 = tpu.memref_slice %arg14[%dma_start3A_86, %dma_start3A_87, %dma_start3A_88] : memref<4x128x64xf32, #tpu.memory_space<vmem>> -> memref<1x128x64xf32, #tpu.memory_space<vmem>>
    %dma_start3A_90 = tpu.memref_squeeze %dma_start3A_89 : memref<1x128x64xf32, #tpu.memory_space<vmem>> -> memref<128x64xf32, #tpu.memory_space<vmem>>
    %dma_start3A_91 = arith.constant 0 : i32
    %dma_start3A_92 = tpu.memref_slice %arg12[%dma_start3A_85, %dma_start3A_91] : memref<157x128xi32, #tpu.memory_space<vmem>> -> memref<1x128xi32, #tpu.memory_space<vmem>>
    %dma_start3A_93 = tpu.memref_squeeze %dma_start3A_92 : memref<1x128xi32, #tpu.memory_space<vmem>> -> memref<128xi32, #tpu.memory_space<vmem>>
    %dma_start3A_94 = arith.constant 0 : i32
    %dma_start3A_95 = arith.constant 0 : i32
    %dma_start3A_96 = tpu.memref_slice %arg3[%dma_start3A_94, %dma_start3A_95] : memref<20000x64xf32, #tpu.memory_space<hbm>> -> memref<20000x64xf32, #tpu.memory_space<hbm>>
    tpu.enqueue_indirect_dma source(%dma_start3A_96 : memref<20000x64xf32, #tpu.memory_space<hbm>>) target(%dma_start3A_90 : memref<128x64xf32, #tpu.memory_space<vmem>>) offsets(%dma_start3A_93 : memref<128xi32, #tpu.memory_space<vmem>>) semaphore(%arg18 : memref<!tpu.dma_semaphore, #tpu.memory_space<semaphore_mem>>)
    %scan3A_97 = arith.constant 0 : i32
    %scan3A_98 = arith.constant 0 : i32
    %scan3A_99 = arith.constant 157 : i32
    %scan3A_100 = arith.addi %scan3A_98, %scan3A_99 : i32
    %scan3A_101 = arith.constant 1 : i32
    scf.for %scan3A_116 = %scan3A_98 to %scan3A_100 step %scan3A_101  : i32 {
      %jit3A = arith.constant 4 : i32
      %eq3A = arith.constant 0 : i32
      %eq3A_117 = arith.cmpi eq, %jit3A, %eq3A : i32
      %jit3A_118 = arith.constant 1 : i32
      %select_n3A = arith.select %eq3A_117, %jit3A_118, %jit3A : i32
      %rem3A = arith.remsi %scan3A_116, %select_n3A : i32
      %ne3A = arith.constant 0 : i32
      %ne3A_119 = arith.cmpi ne, %rem3A, %ne3A : i32
      %lt3A = arith.constant 0 : i32
      %lt3A_120 = arith.cmpi slt, %rem3A, %lt3A : i32
      %lt3A_121 = arith.constant 0 : i32
      %lt3A_122 = arith.cmpi slt, %select_n3A, %lt3A_121 : i32
      %ne3A_123 = arith.xori %lt3A_120, %lt3A_122 : i1
      %and3A = arith.andi %ne3A_123, %ne3A_119 : i1
      %add3A = arith.addi %rem3A, %select_n3A : i32
      %select_n3A_124 = arith.select %and3A, %add3A, %rem3A : i32
      %dma_wait3A_125 = arith.constant 0 : i32
      %dma_wait3A_126 = arith.constant 0 : i32
      %dma_wait3A_127 = tpu.memref_slice %arg14[%select_n3A_124, %dma_wait3A_125, %dma_wait3A_126] : memref<4x128x64xf32, #tpu.memory_space<vmem>> -> memref<1x128x64xf32, #tpu.memory_space<vmem>>
      %dma_wait3A_128 = tpu.memref_squeeze %dma_wait3A_127 : memref<1x128x64xf32, #tpu.memory_space<vmem>> -> memref<128x64xf32, #tpu.memory_space<vmem>>
      %dma_wait3A_129 = arith.constant 0 : i32
      %dma_wait3A_130 = tpu.memref_slice %arg12[%scan3A_116, %dma_wait3A_129] : memref<157x128xi32, #tpu.memory_space<vmem>> -> memref<1x128xi32, #tpu.memory_space<vmem>>
      %dma_wait3A_131 = tpu.memref_squeeze %dma_wait3A_130 : memref<1x128xi32, #tpu.memory_space<vmem>> -> memref<128xi32, #tpu.memory_space<vmem>>
      %dma_wait3A_132 = arith.constant 0 : i32
      %dma_wait3A_133 = arith.constant 0 : i32
      %dma_wait3A_134 = tpu.memref_slice %arg3[%dma_wait3A_132, %dma_wait3A_133] : memref<20000x64xf32, #tpu.memory_space<hbm>> -> memref<20000x64xf32, #tpu.memory_space<hbm>>
      tpu.wait_indirect_dma semaphore(%arg18 : memref<!tpu.dma_semaphore, #tpu.memory_space<semaphore_mem>>) src(%dma_wait3A_134 : memref<20000x64xf32, #tpu.memory_space<hbm>>) dst(%dma_wait3A_128 : memref<128x64xf32, #tpu.memory_space<vmem>>)
      %dma_start3A_135 = arith.constant 0 : i32
      %dma_start3A_136 = arith.constant 0 : i32
      %dma_start3A_137 = tpu.memref_slice %arg14[%select_n3A_124, %dma_start3A_135, %dma_start3A_136] : memref<4x128x64xf32, #tpu.memory_space<vmem>> -> memref<1x128x64xf32, #tpu.memory_space<vmem>>
      %dma_start3A_138 = tpu.memref_squeeze %dma_start3A_137 : memref<1x128x64xf32, #tpu.memory_space<vmem>> -> memref<128x64xf32, #tpu.memory_space<vmem>>
      %dma_start3A_139 = arith.constant 0 : i32
      %dma_start3A_140 = tpu.memref_slice %arg13[%scan3A_116, %dma_start3A_139] : memref<157x128xi32, #tpu.memory_space<vmem>> -> memref<1x128xi32, #tpu.memory_space<vmem>>
      %dma_start3A_141 = tpu.memref_squeeze %dma_start3A_140 : memref<1x128xi32, #tpu.memory_space<vmem>> -> memref<128xi32, #tpu.memory_space<vmem>>
      %dma_start3A_142 = arith.constant 0 : i32
      %dma_start3A_143 = arith.constant 0 : i32
      %dma_start3A_144 = tpu.memref_slice %arg15[%dma_start3A_142, %dma_start3A_143] : memref<10112x64xf32, #tpu.memory_space<vmem_shared>> -> memref<10112x64xf32, #tpu.memory_space<vmem_shared>>
      tpu.enqueue_indirect_dma source(%dma_start3A_138 : memref<128x64xf32, #tpu.memory_space<vmem>>) target(%dma_start3A_144 : memref<10112x64xf32, #tpu.memory_space<vmem_shared>>) offsets(%dma_start3A_141 : memref<128xi32, #tpu.memory_space<vmem>>) semaphore(%arg19 : memref<!tpu.dma_semaphore, #tpu.memory_space<semaphore_mem>>) {add = true}
      %ge3A = arith.constant 1 : i32
      %ge3A_145 = arith.cmpi sge, %scan3A_116, %ge3A : i32
      %convert_element_type3A = arith.extui %ge3A_145 : i1 to i32
      %cond3A = arith.constant 0 : i32
      %cond3A_146 = arith.cmpi ne, %convert_element_type3A, %cond3A : i32
      scf.if %cond3A_146 {
        %sub3A_155 = arith.constant 1 : i32
        %sub3A_156 = arith.subi %scan3A_116, %sub3A_155 : i32
        %jit3A_157 = arith.constant 4 : i32
        %eq3A_158 = arith.constant 0 : i32
        %eq3A_159 = arith.cmpi eq, %jit3A_157, %eq3A_158 : i32
        %jit3A_160 = arith.constant 1 : i32
        %select_n3A_161 = arith.select %eq3A_159, %jit3A_160, %jit3A_157 : i32
        %rem3A_162 = arith.remsi %sub3A_156, %select_n3A_161 : i32
        %ne3A_163 = arith.constant 0 : i32
        %ne3A_164 = arith.cmpi ne, %rem3A_162, %ne3A_163 : i32
        %lt3A_165 = arith.constant 0 : i32
        %lt3A_166 = arith.cmpi slt, %rem3A_162, %lt3A_165 : i32
        %lt3A_167 = arith.constant 0 : i32
        %lt3A_168 = arith.cmpi slt, %select_n3A_161, %lt3A_167 : i32
        %ne3A_169 = arith.xori %lt3A_166, %lt3A_168 : i1
        %and3A_170 = arith.andi %ne3A_169, %ne3A_164 : i1
        %add3A_171 = arith.addi %rem3A_162, %select_n3A_161 : i32
        %select_n3A_172 = arith.select %and3A_170, %add3A_171, %rem3A_162 : i32
        %sub3A_173 = arith.constant 1 : i32
        %sub3A_174 = arith.subi %scan3A_116, %sub3A_173 : i32
        %dma_wait3A_175 = arith.constant 0 : i32
        %dma_wait3A_176 = arith.constant 0 : i32
        %dma_wait3A_177 = tpu.memref_slice %arg14[%select_n3A_172, %dma_wait3A_175, %dma_wait3A_176] : memref<4x128x64xf32, #tpu.memory_space<vmem>> -> memref<1x128x64xf32, #tpu.memory_space<vmem>>
        %dma_wait3A_178 = tpu.memref_squeeze %dma_wait3A_177 : memref<1x128x64xf32, #tpu.memory_space<vmem>> -> memref<128x64xf32, #tpu.memory_space<vmem>>
        %dma_wait3A_179 = arith.constant 0 : i32
        %dma_wait3A_180 = tpu.memref_slice %arg13[%sub3A_174, %dma_wait3A_179] : memref<157x128xi32, #tpu.memory_space<vmem>> -> memref<1x128xi32, #tpu.memory_space<vmem>>
        %dma_wait3A_181 = tpu.memref_squeeze %dma_wait3A_180 : memref<1x128xi32, #tpu.memory_space<vmem>> -> memref<128xi32, #tpu.memory_space<vmem>>
        %dma_wait3A_182 = arith.constant 0 : i32
        %dma_wait3A_183 = arith.constant 0 : i32
        %dma_wait3A_184 = tpu.memref_slice %arg15[%dma_wait3A_182, %dma_wait3A_183] : memref<10112x64xf32, #tpu.memory_space<vmem_shared>> -> memref<10112x64xf32, #tpu.memory_space<vmem_shared>>
        tpu.wait_indirect_dma semaphore(%arg19 : memref<!tpu.dma_semaphore, #tpu.memory_space<semaphore_mem>>) src(%dma_wait3A_178 : memref<128x64xf32, #tpu.memory_space<vmem>>) dst(%dma_wait3A_184 : memref<10112x64xf32, #tpu.memory_space<vmem_shared>>)
      } else {
      }
      %add3A_147 = arith.constant 4 : i32
      %add3A_148 = arith.addi %scan3A_116, %add3A_147 : i32
      %sub3A = arith.constant 1 : i32
      %sub3A_149 = arith.subi %add3A_148, %sub3A : i32
      %lt3A_150 = arith.constant 157 : i32
      %lt3A_151 = arith.cmpi slt, %sub3A_149, %lt3A_150 : i32
      %convert_element_type3A_152 = arith.extui %lt3A_151 : i1 to i32
      %cond3A_153 = arith.constant 0 : i32
      %cond3A_154 = arith.cmpi ne, %convert_element_type3A_152, %cond3A_153 : i32
      scf.if %cond3A_154 {
        %add3A_155 = arith.constant 4 : i32
        %add3A_156 = arith.addi %scan3A_116, %add3A_155 : i32
        %sub3A_157 = arith.constant 1 : i32
        %sub3A_158 = arith.subi %add3A_156, %sub3A_157 : i32
        %add3A_159 = arith.constant 4 : i32
        %add3A_160 = arith.addi %scan3A_116, %add3A_159 : i32
        %sub3A_161 = arith.constant 1 : i32
        %sub3A_162 = arith.subi %add3A_160, %sub3A_161 : i32
        %jit3A_163 = arith.constant 4 : i32
        %eq3A_164 = arith.constant 0 : i32
        %eq3A_165 = arith.cmpi eq, %jit3A_163, %eq3A_164 : i32
        %jit3A_166 = arith.constant 1 : i32
        %select_n3A_167 = arith.select %eq3A_165, %jit3A_166, %jit3A_163 : i32
        %rem3A_168 = arith.remsi %sub3A_162, %select_n3A_167 : i32
        %ne3A_169 = arith.constant 0 : i32
        %ne3A_170 = arith.cmpi ne, %rem3A_168, %ne3A_169 : i32
        %lt3A_171 = arith.constant 0 : i32
        %lt3A_172 = arith.cmpi slt, %rem3A_168, %lt3A_171 : i32
        %lt3A_173 = arith.constant 0 : i32
        %lt3A_174 = arith.cmpi slt, %select_n3A_167, %lt3A_173 : i32
        %ne3A_175 = arith.xori %lt3A_172, %lt3A_174 : i1
        %and3A_176 = arith.andi %ne3A_175, %ne3A_170 : i1
        %add3A_177 = arith.addi %rem3A_168, %select_n3A_167 : i32
        %select_n3A_178 = arith.select %and3A_176, %add3A_177, %rem3A_168 : i32
        %dma_start3A_179 = arith.constant 0 : i32
        %dma_start3A_180 = arith.constant 0 : i32
        %dma_start3A_181 = tpu.memref_slice %arg14[%select_n3A_178, %dma_start3A_179, %dma_start3A_180] : memref<4x128x64xf32, #tpu.memory_space<vmem>> -> memref<1x128x64xf32, #tpu.memory_space<vmem>>
        %dma_start3A_182 = tpu.memref_squeeze %dma_start3A_181 : memref<1x128x64xf32, #tpu.memory_space<vmem>> -> memref<128x64xf32, #tpu.memory_space<vmem>>
        %dma_start3A_183 = arith.constant 0 : i32
        %dma_start3A_184 = tpu.memref_slice %arg12[%sub3A_158, %dma_start3A_183] : memref<157x128xi32, #tpu.memory_space<vmem>> -> memref<1x128xi32, #tpu.memory_space<vmem>>
        %dma_start3A_185 = tpu.memref_squeeze %dma_start3A_184 : memref<1x128xi32, #tpu.memory_space<vmem>> -> memref<128xi32, #tpu.memory_space<vmem>>
        %dma_start3A_186 = arith.constant 0 : i32
        %dma_start3A_187 = arith.constant 0 : i32
        %dma_start3A_188 = tpu.memref_slice %arg3[%dma_start3A_186, %dma_start3A_187] : memref<20000x64xf32, #tpu.memory_space<hbm>> -> memref<20000x64xf32, #tpu.memory_space<hbm>>
        tpu.enqueue_indirect_dma source(%dma_start3A_188 : memref<20000x64xf32, #tpu.memory_space<hbm>>) target(%dma_start3A_182 : memref<128x64xf32, #tpu.memory_space<vmem>>) offsets(%dma_start3A_185 : memref<128xi32, #tpu.memory_space<vmem>>) semaphore(%arg18 : memref<!tpu.dma_semaphore, #tpu.memory_space<semaphore_mem>>)
      } else {
      }
    }
    %scan3A_102 = arith.constant 157 : i32
    %dma_wait3A_103 = arith.constant 0 : i32
    %dma_wait3A_104 = arith.constant 156 : i32
    %dma_wait3A_105 = arith.constant 0 : i32
    %dma_wait3A_106 = arith.constant 0 : i32
    %dma_wait3A_107 = tpu.memref_slice %arg14[%dma_wait3A_103, %dma_wait3A_105, %dma_wait3A_106] : memref<4x128x64xf32, #tpu.memory_space<vmem>> -> memref<1x128x64xf32, #tpu.memory_space<vmem>>
    %dma_wait3A_108 = tpu.memref_squeeze %dma_wait3A_107 : memref<1x128x64xf32, #tpu.memory_space<vmem>> -> memref<128x64xf32, #tpu.memory_space<vmem>>
    %dma_wait3A_109 = arith.constant 0 : i32
    %dma_wait3A_110 = tpu.memref_slice %arg13[%dma_wait3A_104, %dma_wait3A_109] : memref<157x128xi32, #tpu.memory_space<vmem>> -> memref<1x128xi32, #tpu.memory_space<vmem>>
    %dma_wait3A_111 = tpu.memref_squeeze %dma_wait3A_110 : memref<1x128xi32, #tpu.memory_space<vmem>> -> memref<128xi32, #tpu.memory_space<vmem>>
    %dma_wait3A_112 = arith.constant 0 : i32
    %dma_wait3A_113 = arith.constant 0 : i32
    %dma_wait3A_114 = tpu.memref_slice %arg15[%dma_wait3A_112, %dma_wait3A_113] : memref<10112x64xf32, #tpu.memory_space<vmem_shared>> -> memref<10112x64xf32, #tpu.memory_space<vmem_shared>>
    tpu.wait_indirect_dma semaphore(%arg19 : memref<!tpu.dma_semaphore, #tpu.memory_space<semaphore_mem>>) src(%dma_wait3A_108 : memref<128x64xf32, #tpu.memory_space<vmem>>) dst(%dma_wait3A_114 : memref<10112x64xf32, #tpu.memory_space<vmem_shared>>)
    %barrier3A_115 = arith.constant 0 : index
    tpu.barrier barrier_id(%barrier3A_115)
    "tpu.region"() ({
      %run_scoped3A = tpu.sem_alloc : memref<!tpu.dma_semaphore, #tpu.memory_space<semaphore_mem>>
      %dma_start3A_116 = arith.constant 0 : i32
      %dma_start3A_117 = tpu.memref_slice %arg10[%arg0, %mul3A_0, %dma_start3A_116] : memref<2x10112x64xf32, #tpu.memory_space<hbm>> -> memref<1x632x64xf32, #tpu.memory_space<hbm>>
      %dma_start3A_118 = tpu.memref_squeeze %dma_start3A_117 : memref<1x632x64xf32, #tpu.memory_space<hbm>> -> memref<632x64xf32, #tpu.memory_space<hbm>>
      %dma_start3A_119 = arith.constant 0 : i32
      %dma_start3A_120 = tpu.memref_slice %arg15[%mul3A_0, %dma_start3A_119] : memref<10112x64xf32, #tpu.memory_space<vmem_shared>> -> memref<632x64xf32, #tpu.memory_space<vmem_shared>>
      tpu.enqueue_dma source(%dma_start3A_120 : memref<632x64xf32, #tpu.memory_space<vmem_shared>>) target(%dma_start3A_118 : memref<632x64xf32, #tpu.memory_space<hbm>>) target_semaphore(%run_scoped3A : memref<!tpu.dma_semaphore, #tpu.memory_space<semaphore_mem>>)
      %dma_wait3A_121 = arith.constant 0 : i32
      %dma_wait3A_122 = tpu.memref_slice %arg10[%arg0, %mul3A_0, %dma_wait3A_121] : memref<2x10112x64xf32, #tpu.memory_space<hbm>> -> memref<1x632x64xf32, #tpu.memory_space<hbm>>
      %dma_wait3A_123 = tpu.memref_squeeze %dma_wait3A_122 : memref<1x632x64xf32, #tpu.memory_space<hbm>> -> memref<632x64xf32, #tpu.memory_space<hbm>>
      %dma_wait3A_124 = arith.constant 0 : i32
      %dma_wait3A_125 = tpu.memref_slice %arg15[%mul3A_0, %dma_wait3A_124] : memref<10112x64xf32, #tpu.memory_space<vmem_shared>> -> memref<632x64xf32, #tpu.memory_space<vmem_shared>>
      tpu.wait_dma2 semaphore(%run_scoped3A : memref<!tpu.dma_semaphore, #tpu.memory_space<semaphore_mem>>) src(%dma_wait3A_125 : memref<632x64xf32, #tpu.memory_space<vmem_shared>>) dst(%dma_wait3A_123 : memref<632x64xf32, #tpu.memory_space<hbm>>)
      tpu.yield
    }) : () -> ()
    return
  }
}

module attributes {stable_mosaic.version = 14 : i64} {
  func.func @_proj_body(%arg0: i32, %arg1: i32, %arg2: memref<2000x128xf32, #tpu.memory_space<vmem>>, %arg3: memref<1x128x128xf32, #tpu.memory_space<vmem>>, %arg4: memref<1x1x128xf32, #tpu.memory_space<vmem>>, %arg5: memref<2000x64xf32, #tpu.memory_space<vmem>>, %arg6: memref<2000x64xf32, #tpu.memory_space<vmem>>) attributes {dimension_semantics = [#tpu.dimension_semantics<arbitrary>, #tpu.dimension_semantics<arbitrary>], iteration_bounds = array<i64: 2, 5>, scalar_prefetch = 0 : i64, scratch_operands = 0 : i64, tpu.core_type = #tpu.core_type<tc>, window_params = [{transform_indices = @transform_0, window_bounds = array<i64: 2000, 128>}, {transform_indices = @transform_1, window_bounds = array<i64: 1, 128, 128>}, {transform_indices = @transform_2, window_bounds = array<i64: 1, 1, 128>}, {transform_indices = @transform_3, window_bounds = array<i64: 2000, 64>}, {transform_indices = @transform_4, window_bounds = array<i64: 2000, 64>}]} {
    %get3A = arith.constant 0 : index
    %get3A_0 = arith.constant 0 : index
    %get3A_1 = vector.load %arg2[%get3A, %get3A_0] : memref<2000x128xf32, #tpu.memory_space<vmem>>, vector<2000x128xf32>
    %get3A_2 = arith.constant 0 : index
    %get3A_3 = arith.constant 0 : index
    %get3A_4 = arith.constant 0 : index
    %get3A_5 = vector.load %arg3[%get3A_2, %get3A_3, %get3A_4] : memref<1x128x128xf32, #tpu.memory_space<vmem>>, vector<1x128x128xf32>
    %get3A_6 = vector.shape_cast %get3A_5 : vector<1x128x128xf32> to vector<128x128xf32>
    %dot_general3A = arith.constant dense<0.000000e+00> : vector<2000x128xf32>
    %dot_general3A_7 = tpu.matmul %get3A_1, %get3A_6, %dot_general3A {dimension_numbers = #tpu.dot_dimension_numbers<[1], [0], [0], [1], [0, 0, 1, 1], [], []>, transpose_lhs_hint = false} : vector<2000x128xf32>, vector<128x128xf32>, vector<2000x128xf32> -> vector<2000x128xf32>
    %get3A_8 = arith.constant 0 : index
    %get3A_9 = arith.constant 0 : index
    %get3A_10 = arith.constant 0 : index
    %get3A_11 = vector.load %arg4[%get3A_8, %get3A_9, %get3A_10] : memref<1x1x128xf32, #tpu.memory_space<vmem>>, vector<1x1x128xf32>
    %get3A_12 = vector.shape_cast %get3A_11 : vector<1x1x128xf32> to vector<1x128xf32>
    %add3A = vector.broadcast %get3A_12 : vector<1x128xf32> to vector<2000x128xf32>
    %add3A_13 = arith.addf %dot_general3A_7, %add3A : vector<2000x128xf32>
    %max3A = arith.constant 0.000000e+00 : f32
    %max3A_14 = vector.broadcast %max3A : f32 to vector<2000x128xf32>
    %max3A_15 = arith.maximumf %add3A_13, %max3A_14 : vector<2000x128xf32>
    %slice3A = vector.extract_strided_slice %max3A_15 {offsets = [0, 0], sizes = [2000, 64], strides = [1, 1]} : vector<2000x128xf32> to vector<2000x64xf32>
    %swap3A = arith.constant 0 : index
    %swap3A_16 = arith.constant 0 : index
    %swap3A_17 = vector.load %arg5[%swap3A, %swap3A_16] : memref<2000x64xf32, #tpu.memory_space<vmem>>, vector<2000x64xf32>
    tpu.vector_store %arg5[%swap3A, %swap3A_16], %slice3A {strides = array<i32>} : memref<2000x64xf32, #tpu.memory_space<vmem>>, vector<2000x64xf32>,
    %slice3A_18 = vector.extract_strided_slice %max3A_15 {offsets = [0, 64], sizes = [2000, 64], strides = [1, 1]} : vector<2000x128xf32> to vector<2000x64xf32>
    %swap3A_19 = arith.constant 0 : index
    %swap3A_20 = arith.constant 0 : index
    %swap3A_21 = vector.load %arg6[%swap3A_19, %swap3A_20] : memref<2000x64xf32, #tpu.memory_space<vmem>>, vector<2000x64xf32>
    tpu.vector_store %arg6[%swap3A_19, %swap3A_20], %slice3A_18 {strides = array<i32>} : memref<2000x64xf32, #tpu.memory_space<vmem>>, vector<2000x64xf32>,
    return
  }
  func.func @transform_0(%arg0: i32, %arg1: i32) -> (i32, i32) {
    %mul3A = arith.constant 5 : i32
    %mul3A_0 = arith.muli %arg0, %mul3A : i32
    %add3A = arith.addi %mul3A_0, %arg1 : i32
    %c0_i32 = arith.constant 0 : i32
    %c0_i32_1 = arith.constant 0 : i32
    return %add3A, %c0_i32 : i32, i32
  }
  func.func @transform_1(%arg0: i32, %arg1: i32) -> (i32, i32, i32) {
    %c0_i32 = arith.constant 0 : i32
    %c0_i32_0 = arith.constant 0 : i32
    %c0_i32_1 = arith.constant 0 : i32
    return %arg0, %c0_i32, %c0_i32_0 : i32, i32, i32
  }
  func.func @transform_2(%arg0: i32, %arg1: i32) -> (i32, i32, i32) {
    %c0_i32 = arith.constant 0 : i32
    %c0_i32_0 = arith.constant 0 : i32
    %c0_i32_1 = arith.constant 0 : i32
    return %arg0, %c0_i32, %c0_i32_0 : i32, i32, i32
  }
  func.func @transform_3(%arg0: i32, %arg1: i32) -> (i32, i32) {
    %mul3A = arith.constant 5 : i32
    %mul3A_0 = arith.muli %arg0, %mul3A : i32
    %add3A = arith.addi %mul3A_0, %arg1 : i32
    %c0_i32 = arith.constant 0 : i32
    %c0_i32_1 = arith.constant 0 : i32
    return %add3A, %c0_i32 : i32, i32
  }
  func.func @transform_4(%arg0: i32, %arg1: i32) -> (i32, i32) {
    %mul3A = arith.constant 5 : i32
    %mul3A_0 = arith.muli %arg0, %mul3A : i32
    %add3A = arith.addi %mul3A_0, %arg1 : i32
    %c0_i32 = arith.constant 0 : i32
    %c0_i32_1 = arith.constant 0 : i32
    return %add3A, %c0_i32 : i32, i32
  }
}

module attributes {stable_mosaic.version = 14 : i64} {
  func.func @_self_body(%arg0: i32, %arg1: i32, %arg2: memref<2000x64xf32, #tpu.memory_space<vmem>>, %arg3: memref<2000x64xf32, #tpu.memory_space<vmem>>, %arg4: memref<1x128x128xf32, #tpu.memory_space<vmem>>, %arg5: memref<1x1x128xf32, #tpu.memory_space<vmem>>, %arg6: memref<2000x128xf32, #tpu.memory_space<vmem>>) attributes {dimension_semantics = [#tpu.dimension_semantics<arbitrary>, #tpu.dimension_semantics<arbitrary>], iteration_bounds = array<i64: 2, 5>, scalar_prefetch = 0 : i64, scratch_operands = 0 : i64, tpu.core_type = #tpu.core_type<tc>, window_params = [{transform_indices = @transform_0, window_bounds = array<i64: 2000, 64>}, {transform_indices = @transform_1, window_bounds = array<i64: 2000, 64>}, {transform_indices = @transform_2, window_bounds = array<i64: 1, 128, 128>}, {transform_indices = @transform_3, window_bounds = array<i64: 1, 1, 128>}, {transform_indices = @transform_4, window_bounds = array<i64: 2000, 128>}]} {
    %get3A = arith.constant 0 : index
    %get3A_0 = arith.constant 0 : index
    %get3A_1 = vector.load %arg2[%get3A, %get3A_0] : memref<2000x64xf32, #tpu.memory_space<vmem>>, vector<2000x64xf32>
    %get3A_2 = arith.constant 0 : index
    %get3A_3 = arith.constant 0 : index
    %get3A_4 = vector.load %arg3[%get3A_2, %get3A_3] : memref<2000x64xf32, #tpu.memory_space<vmem>>, vector<2000x64xf32>
    %concatenate3A = tpu.concatenate %get3A_1, %get3A_4 in 1 : vector<2000x64xf32>, vector<2000x64xf32> -> vector<2000x128xf32>
    %get3A_5 = arith.constant 0 : index
    %get3A_6 = arith.constant 0 : index
    %get3A_7 = arith.constant 0 : index
    %get3A_8 = vector.load %arg4[%get3A_5, %get3A_6, %get3A_7] : memref<1x128x128xf32, #tpu.memory_space<vmem>>, vector<1x128x128xf32>
    %get3A_9 = vector.shape_cast %get3A_8 : vector<1x128x128xf32> to vector<128x128xf32>
    %dot_general3A = arith.constant dense<0.000000e+00> : vector<2000x128xf32>
    %dot_general3A_10 = tpu.matmul %concatenate3A, %get3A_9, %dot_general3A {dimension_numbers = #tpu.dot_dimension_numbers<[1], [0], [0], [1], [0, 0, 1, 1], [], []>, transpose_lhs_hint = false} : vector<2000x128xf32>, vector<128x128xf32>, vector<2000x128xf32> -> vector<2000x128xf32>
    %get3A_11 = arith.constant 0 : index
    %get3A_12 = arith.constant 0 : index
    %get3A_13 = arith.constant 0 : index
    %get3A_14 = vector.load %arg5[%get3A_11, %get3A_12, %get3A_13] : memref<1x1x128xf32, #tpu.memory_space<vmem>>, vector<1x1x128xf32>
    %get3A_15 = vector.shape_cast %get3A_14 : vector<1x1x128xf32> to vector<1x128xf32>
    %add3A = vector.broadcast %get3A_15 : vector<1x128xf32> to vector<2000x128xf32>
    %add3A_16 = arith.addf %dot_general3A_10, %add3A : vector<2000x128xf32>
    %swap3A = arith.constant 0 : index
    %swap3A_17 = arith.constant 0 : index
    %swap3A_18 = vector.load %arg6[%swap3A, %swap3A_17] : memref<2000x128xf32, #tpu.memory_space<vmem>>, vector<2000x128xf32>
    tpu.vector_store %arg6[%swap3A, %swap3A_17], %add3A_16 {strides = array<i32>} : memref<2000x128xf32, #tpu.memory_space<vmem>>, vector<2000x128xf32>,
    return
  }
  func.func @transform_0(%arg0: i32, %arg1: i32) -> (i32, i32) {
    %mul3A = arith.constant 5 : i32
    %mul3A_0 = arith.muli %arg0, %mul3A : i32
    %add3A = arith.addi %mul3A_0, %arg1 : i32
    %c0_i32 = arith.constant 0 : i32
    %c0_i32_1 = arith.constant 0 : i32
    return %add3A, %c0_i32 : i32, i32
  }
  func.func @transform_1(%arg0: i32, %arg1: i32) -> (i32, i32) {
    %mul3A = arith.constant 5 : i32
    %mul3A_0 = arith.muli %arg0, %mul3A : i32
    %add3A = arith.addi %mul3A_0, %arg1 : i32
    %c0_i32 = arith.constant 0 : i32
    %c0_i32_1 = arith.constant 0 : i32
    return %add3A, %c0_i32 : i32, i32
  }
  func.func @transform_2(%arg0: i32, %arg1: i32) -> (i32, i32, i32) {
    %c0_i32 = arith.constant 0 : i32
    %c0_i32_0 = arith.constant 0 : i32
    %c0_i32_1 = arith.constant 0 : i32
    return %arg0, %c0_i32, %c0_i32_0 : i32, i32, i32
  }
  func.func @transform_3(%arg0: i32, %arg1: i32) -> (i32, i32, i32) {
    %c0_i32 = arith.constant 0 : i32
    %c0_i32_0 = arith.constant 0 : i32
    %c0_i32_1 = arith.constant 0 : i32
    return %arg0, %c0_i32, %c0_i32_0 : i32, i32, i32
  }
  func.func @transform_4(%arg0: i32, %arg1: i32) -> (i32, i32) {
    %mul3A = arith.constant 5 : i32
    %mul3A_0 = arith.muli %arg0, %mul3A : i32
    %add3A = arith.addi %mul3A_0, %arg1 : i32
    %c0_i32 = arith.constant 0 : i32
    %c0_i32_1 = arith.constant 0 : i32
    return %add3A, %c0_i32 : i32, i32
  }
}

module attributes {stable_mosaic.version = 14 : i64} {
  func.func @_layer_body(%arg0: i32, %arg1: i32, %arg2: memref<1x2000x64xf32, #tpu.memory_space<vmem>>, %arg3: memref<1x2000x64xf32, #tpu.memory_space<vmem>>, %arg4: memref<1x2000x16xf32, #tpu.memory_space<vmem>>, %arg5: memref<2000x128xf32, #tpu.memory_space<vmem>>, %arg6: memref<1x128x128xf32, #tpu.memory_space<vmem>>, %arg7: memref<1x1x128xf32, #tpu.memory_space<vmem>>, %arg8: memref<1x1x128xf32, #tpu.memory_space<vmem>>, %arg9: memref<1x1x128xf32, #tpu.memory_space<vmem>>, %arg10: memref<2000x64xf32, #tpu.memory_space<vmem>>, %arg11: memref<2000x64xf32, #tpu.memory_space<vmem>>) attributes {dimension_semantics = [#tpu.dimension_semantics<arbitrary>, #tpu.dimension_semantics<arbitrary>], iteration_bounds = array<i64: 2, 5>, scalar_prefetch = 0 : i64, scratch_operands = 0 : i64, tpu.core_type = #tpu.core_type<tc>, window_params = [{transform_indices = @transform_0, window_bounds = array<i64: 1, 2000, 64>}, {transform_indices = @transform_1, window_bounds = array<i64: 1, 2000, 64>}, {transform_indices = @transform_2, window_bounds = array<i64: 1, 2000, 16>}, {transform_indices = @transform_3, window_bounds = array<i64: 2000, 128>}, {transform_indices = @transform_4, window_bounds = array<i64: 1, 128, 128>}, {transform_indices = @transform_5, window_bounds = array<i64: 1, 1, 128>}, {transform_indices = @transform_6, window_bounds = array<i64: 1, 1, 128>}, {transform_indices = @transform_7, window_bounds = array<i64: 1, 1, 128>}, {transform_indices = @transform_8, window_bounds = array<i64: 2000, 64>}, {transform_indices = @transform_9, window_bounds = array<i64: 2000, 64>}]} {
    %get3A = arith.constant 0 : index
    %get3A_0 = arith.constant 0 : index
    %get3A_1 = arith.constant 0 : index
    %get3A_2 = vector.load %arg2[%get3A, %get3A_0, %get3A_1] : memref<1x2000x64xf32, #tpu.memory_space<vmem>>, vector<1x2000x64xf32>
    %get3A_3 = vector.shape_cast %get3A_2 : vector<1x2000x64xf32> to vector<2000x64xf32>
    %get3A_4 = arith.constant 0 : index
    %get3A_5 = arith.constant 0 : index
    %get3A_6 = arith.constant 0 : index
    %get3A_7 = vector.load %arg3[%get3A_4, %get3A_5, %get3A_6] : memref<1x2000x64xf32, #tpu.memory_space<vmem>>, vector<1x2000x64xf32>
    %get3A_8 = vector.shape_cast %get3A_7 : vector<1x2000x64xf32> to vector<2000x64xf32>
    %concatenate3A = tpu.concatenate %get3A_3, %get3A_8 in 1 : vector<2000x64xf32>, vector<2000x64xf32> -> vector<2000x128xf32>
    %get3A_9 = arith.constant 0 : index
    %get3A_10 = arith.constant 0 : index
    %get3A_11 = arith.constant 0 : index
    %get3A_12 = vector.load %arg4[%get3A_9, %get3A_10, %get3A_11] : memref<1x2000x16xf32, #tpu.memory_space<vmem>>, vector<1x2000x1xf32>
    %get3A_13 = vector.shape_cast %get3A_12 : vector<1x2000x1xf32> to vector<2000x1xf32>
    %max3A = arith.constant 1.000000e+00 : f32
    %max3A_14 = vector.broadcast %max3A : f32 to vector<2000x1xf32>
    %max3A_15 = arith.maximumf %get3A_13, %max3A_14 : vector<2000x1xf32>
    %div3A = vector.broadcast %max3A_15 : vector<2000x1xf32> to vector<2000x128xf32>
    %div3A_16 = arith.divf %concatenate3A, %div3A : vector<2000x128xf32>
    %convert_element_type3A = arith.truncf %div3A_16 : vector<2000x128xf32> to vector<2000x128xbf16>
    %convert_element_type3A_17 = arith.extf %convert_element_type3A : vector<2000x128xbf16> to vector<2000x128xf32>
    %sub3A = arith.subf %div3A_16, %convert_element_type3A_17 : vector<2000x128xf32>
    %get3A_18 = arith.constant 0 : index
    %get3A_19 = arith.constant 0 : index
    %get3A_20 = arith.constant 0 : index
    %get3A_21 = vector.load %arg6[%get3A_18, %get3A_19, %get3A_20] : memref<1x128x128xf32, #tpu.memory_space<vmem>>, vector<1x128x128xf32>
    %get3A_22 = vector.shape_cast %get3A_21 : vector<1x128x128xf32> to vector<128x128xf32>
    %dot_general3A = arith.constant dense<0.000000e+00> : vector<2000x128xf32>
    %dot_general3A_23 = tpu.matmul %convert_element_type3A_17, %get3A_22, %dot_general3A {dimension_numbers = #tpu.dot_dimension_numbers<[1], [0], [0], [1], [0, 0, 1, 1], [], []>, transpose_lhs_hint = false} : vector<2000x128xf32>, vector<128x128xf32>, vector<2000x128xf32> -> vector<2000x128xf32>
    %get3A_24 = arith.constant 0 : index
    %get3A_25 = arith.constant 0 : index
    %get3A_26 = arith.constant 0 : index
    %get3A_27 = vector.load %arg6[%get3A_24, %get3A_25, %get3A_26] : memref<1x128x128xf32, #tpu.memory_space<vmem>>, vector<1x128x128xf32>
    %get3A_28 = vector.shape_cast %get3A_27 : vector<1x128x128xf32> to vector<128x128xf32>
    %dot_general3A_29 = arith.constant dense<0.000000e+00> : vector<2000x128xf32>
    %dot_general3A_30 = tpu.matmul %sub3A, %get3A_28, %dot_general3A_29 {dimension_numbers = #tpu.dot_dimension_numbers<[1], [0], [0], [1], [0, 0, 1, 1], [], []>, transpose_lhs_hint = false} : vector<2000x128xf32>, vector<128x128xf32>, vector<2000x128xf32> -> vector<2000x128xf32>
    %add3A = arith.addf %dot_general3A_23, %dot_general3A_30 : vector<2000x128xf32>
    %gt3A = arith.constant 0.000000e+00 : f32
    %gt3A_31 = vector.broadcast %gt3A : f32 to vector<2000x1xf32>
    %gt3A_32 = arith.cmpf ogt, %get3A_13, %gt3A_31 : vector<2000x1xf32>
    %jit3A = arith.constant 1.000000e+00 : f32
    %jit3A_33 = arith.constant 0.000000e+00 : f32
    %broadcast_in_dim3A = vector.broadcast %jit3A : f32 to vector<2000x1xf32>
    %broadcast_in_dim3A_34 = vector.broadcast %jit3A_33 : f32 to vector<2000x1xf32>
    %select_n3A = arith.select %gt3A_32, %broadcast_in_dim3A, %broadcast_in_dim3A_34 : vector<2000x1xi1>, vector<2000x1xf32>
    %get3A_35 = arith.constant 0 : index
    %get3A_36 = arith.constant 0 : index
    %get3A_37 = arith.constant 0 : index
    %get3A_38 = vector.load %arg7[%get3A_35, %get3A_36, %get3A_37] : memref<1x1x128xf32, #tpu.memory_space<vmem>>, vector<1x1x128xf32>
    %get3A_39 = vector.shape_cast %get3A_38 : vector<1x1x128xf32> to vector<1x128xf32>
    %mul3A = vector.broadcast %select_n3A : vector<2000x1xf32> to vector<2000x128xf32>
    %mul3A_40 = vector.broadcast %get3A_39 : vector<1x128xf32> to vector<2000x128xf32>
    %mul3A_41 = arith.mulf %mul3A, %mul3A_40 : vector<2000x128xf32>
    %add3A_42 = arith.addf %add3A, %mul3A_41 : vector<2000x128xf32>
    %get3A_43 = arith.constant 0 : index
    %get3A_44 = arith.constant 0 : index
    %get3A_45 = vector.load %arg5[%get3A_43, %get3A_44] : memref<2000x128xf32, #tpu.memory_space<vmem>>, vector<2000x128xf32>
    %add3A_46 = arith.addf %add3A_42, %get3A_45 : vector<2000x128xf32>
    %reduce_sum3A = arith.constant dense<0.000000e+00> : vector<2000xf32>
    %reduce_sum3A_47 = vector.multi_reduction <add>, %add3A_46, %reduce_sum3A [1] : vector<2000x128xf32> to vector<2000xf32>
    %broadcast_in_dim3A_48 = vector.shape_cast %reduce_sum3A_47 : vector<2000xf32> to vector<2000x1xf32>
    %div3A_49 = arith.constant 1.280000e+02 : f32
    %div3A_50 = vector.broadcast %div3A_49 : f32 to vector<2000x1xf32>
    %div3A_51 = arith.divf %broadcast_in_dim3A_48, %div3A_50 : vector<2000x1xf32>
    %sub3A_52 = vector.broadcast %div3A_51 : vector<2000x1xf32> to vector<2000x128xf32>
    %sub3A_53 = arith.subf %add3A_46, %sub3A_52 : vector<2000x128xf32>
    %integer_pow3A = arith.mulf %sub3A_53, %sub3A_53 : vector<2000x128xf32>
    %reduce_sum3A_54 = arith.constant dense<0.000000e+00> : vector<2000xf32>
    %reduce_sum3A_55 = vector.multi_reduction <add>, %integer_pow3A, %reduce_sum3A_54 [1] : vector<2000x128xf32> to vector<2000xf32>
    %broadcast_in_dim3A_56 = vector.shape_cast %reduce_sum3A_55 : vector<2000xf32> to vector<2000x1xf32>
    %div3A_57 = arith.constant 1.280000e+02 : f32
    %div3A_58 = vector.broadcast %div3A_57 : f32 to vector<2000x1xf32>
    %div3A_59 = arith.divf %broadcast_in_dim3A_56, %div3A_58 : vector<2000x1xf32>
    %sub3A_60 = vector.broadcast %div3A_51 : vector<2000x1xf32> to vector<2000x128xf32>
    %sub3A_61 = arith.subf %add3A_46, %sub3A_60 : vector<2000x128xf32>
    %add3A_62 = arith.constant 9.99999974E-6 : f32
    %add3A_63 = vector.broadcast %add3A_62 : f32 to vector<2000x1xf32>
    %add3A_64 = arith.addf %div3A_59, %add3A_63 : vector<2000x1xf32>
    %sqrt3A = math.sqrt %add3A_64 : vector<2000x1xf32>
    %div3A_65 = vector.broadcast %sqrt3A : vector<2000x1xf32> to vector<2000x128xf32>
    %div3A_66 = arith.divf %sub3A_61, %div3A_65 : vector<2000x128xf32>
    %get3A_67 = arith.constant 0 : index
    %get3A_68 = arith.constant 0 : index
    %get3A_69 = arith.constant 0 : index
    %get3A_70 = vector.load %arg8[%get3A_67, %get3A_68, %get3A_69] : memref<1x1x128xf32, #tpu.memory_space<vmem>>, vector<1x1x128xf32>
    %get3A_71 = vector.shape_cast %get3A_70 : vector<1x1x128xf32> to vector<1x128xf32>
    %mul3A_72 = vector.broadcast %get3A_71 : vector<1x128xf32> to vector<2000x128xf32>
    %mul3A_73 = arith.mulf %div3A_66, %mul3A_72 : vector<2000x128xf32>
    %get3A_74 = arith.constant 0 : index
    %get3A_75 = arith.constant 0 : index
    %get3A_76 = arith.constant 0 : index
    %get3A_77 = vector.load %arg9[%get3A_74, %get3A_75, %get3A_76] : memref<1x1x128xf32, #tpu.memory_space<vmem>>, vector<1x1x128xf32>
    %get3A_78 = vector.shape_cast %get3A_77 : vector<1x1x128xf32> to vector<1x128xf32>
    %add3A_79 = vector.broadcast %get3A_78 : vector<1x128xf32> to vector<2000x128xf32>
    %add3A_80 = arith.addf %mul3A_73, %add3A_79 : vector<2000x128xf32>
    %max3A_81 = arith.constant 0.000000e+00 : f32
    %max3A_82 = vector.broadcast %max3A_81 : f32 to vector<2000x128xf32>
    %max3A_83 = arith.maximumf %add3A_80, %max3A_82 : vector<2000x128xf32>
    %slice3A = vector.extract_strided_slice %max3A_83 {offsets = [0, 0], sizes = [2000, 64], strides = [1, 1]} : vector<2000x128xf32> to vector<2000x64xf32>
    %swap3A = arith.constant 0 : index
    %swap3A_84 = arith.constant 0 : index
    %swap3A_85 = vector.load %arg10[%swap3A, %swap3A_84] : memref<2000x64xf32, #tpu.memory_space<vmem>>, vector<2000x64xf32>
    tpu.vector_store %arg10[%swap3A, %swap3A_84], %slice3A {strides = array<i32>} : memref<2000x64xf32, #tpu.memory_space<vmem>>, vector<2000x64xf32>,
    %slice3A_86 = vector.extract_strided_slice %max3A_83 {offsets = [0, 64], sizes = [2000, 64], strides = [1, 1]} : vector<2000x128xf32> to vector<2000x64xf32>
    %swap3A_87 = arith.constant 0 : index
    %swap3A_88 = arith.constant 0 : index
    %swap3A_89 = vector.load %arg11[%swap3A_87, %swap3A_88] : memref<2000x64xf32, #tpu.memory_space<vmem>>, vector<2000x64xf32>
    tpu.vector_store %arg11[%swap3A_87, %swap3A_88], %slice3A_86 {strides = array<i32>} : memref<2000x64xf32, #tpu.memory_space<vmem>>, vector<2000x64xf32>,
    return
  }
  func.func @transform_0(%arg0: i32, %arg1: i32) -> (i32, i32, i32) {
    %c0_i32 = arith.constant 0 : i32
    %c0_i32_0 = arith.constant 0 : i32
    return %arg0, %arg1, %c0_i32 : i32, i32, i32
  }
  func.func @transform_1(%arg0: i32, %arg1: i32) -> (i32, i32, i32) {
    %c0_i32 = arith.constant 0 : i32
    %c0_i32_0 = arith.constant 0 : i32
    return %arg0, %arg1, %c0_i32 : i32, i32, i32
  }
  func.func @transform_2(%arg0: i32, %arg1: i32) -> (i32, i32, i32) {
    %c0_i32 = arith.constant 0 : i32
    %c0_i32_0 = arith.constant 0 : i32
    return %arg0, %arg1, %c0_i32 : i32, i32, i32
  }
  func.func @transform_3(%arg0: i32, %arg1: i32) -> (i32, i32) {
    %mul3A = arith.constant 5 : i32
    %mul3A_0 = arith.muli %arg0, %mul3A : i32
    %add3A = arith.addi %mul3A_0, %arg1 : i32
    %c0_i32 = arith.constant 0 : i32
    %c0_i32_1 = arith.constant 0 : i32
    return %add3A, %c0_i32 : i32, i32
  }
  func.func @transform_4(%arg0: i32, %arg1: i32) -> (i32, i32, i32) {
    %c0_i32 = arith.constant 0 : i32
    %c0_i32_0 = arith.constant 0 : i32
    %c0_i32_1 = arith.constant 0 : i32
    return %arg0, %c0_i32, %c0_i32_0 : i32, i32, i32
  }
  func.func @transform_5(%arg0: i32, %arg1: i32) -> (i32, i32, i32) {
    %c0_i32 = arith.constant 0 : i32
    %c0_i32_0 = arith.constant 0 : i32
    %c0_i32_1 = arith.constant 0 : i32
    return %arg0, %c0_i32, %c0_i32_0 : i32, i32, i32
  }
  func.func @transform_6(%arg0: i32, %arg1: i32) -> (i32, i32, i32) {
    %c0_i32 = arith.constant 0 : i32
    %c0_i32_0 = arith.constant 0 : i32
    %c0_i32_1 = arith.constant 0 : i32
    return %arg0, %c0_i32, %c0_i32_0 : i32, i32, i32
  }
  func.func @transform_7(%arg0: i32, %arg1: i32) -> (i32, i32, i32) {
    %c0_i32 = arith.constant 0 : i32
    %c0_i32_0 = arith.constant 0 : i32
    %c0_i32_1 = arith.constant 0 : i32
    return %arg0, %c0_i32, %c0_i32_0 : i32, i32, i32
  }
  func.func @transform_8(%arg0: i32, %arg1: i32) -> (i32, i32) {
    %mul3A = arith.constant 5 : i32
    %mul3A_0 = arith.muli %arg0, %mul3A : i32
    %add3A = arith.addi %mul3A_0, %arg1 : i32
    %c0_i32 = arith.constant 0 : i32
    %c0_i32_1 = arith.constant 0 : i32
    return %add3A, %c0_i32 : i32, i32
  }
  func.func @transform_9(%arg0: i32, %arg1: i32) -> (i32, i32) {
    %mul3A = arith.constant 5 : i32
    %mul3A_0 = arith.muli %arg0, %mul3A : i32
    %add3A = arith.addi %mul3A_0, %arg1 : i32
    %c0_i32 = arith.constant 0 : i32
    %c0_i32_1 = arith.constant 0 : i32
    return %add3A, %c0_i32 : i32, i32
  }
}

module attributes {stable_mosaic.version = 14 : i64} {
  func.func @_head_body(%arg0: i32, %arg1: memref<10000x64xf32, #tpu.memory_space<vmem>>, %arg2: memref<10000x64xf32, #tpu.memory_space<vmem>>, %arg3: memref<128x64xf32, #tpu.memory_space<vmem>>, %arg4: memref<1x1x64xf32, #tpu.memory_space<vmem>>, %arg5: memref<64x1xf32, #tpu.memory_space<vmem>>, %arg6: memref<1x1x1xf32, #tpu.memory_space<vmem>>, %arg7: memref<10000xf32, #tpu.memory_space<vmem>>) attributes {dimension_semantics = [#tpu.dimension_semantics<arbitrary>], iteration_bounds = array<i64: 1>, scalar_prefetch = 0 : i64, scratch_operands = 0 : i64, tpu.core_type = #tpu.core_type<tc>, window_params = [{transform_indices = @transform_0, window_bounds = array<i64: 10000, 64>}, {transform_indices = @transform_1, window_bounds = array<i64: 10000, 64>}, {pipeline_mode = #tpu.pipeline_mode<synchronous>, transform_indices = @transform_2, window_bounds = array<i64: 128, 64>}, {pipeline_mode = #tpu.pipeline_mode<synchronous>, transform_indices = @transform_3, window_bounds = array<i64: 1, 1, 64>}, {pipeline_mode = #tpu.pipeline_mode<synchronous>, transform_indices = @transform_4, window_bounds = array<i64: 64, 1>}, {pipeline_mode = #tpu.pipeline_mode<synchronous>, transform_indices = @transform_5, window_bounds = array<i64: 1, 1, 1>}, {pipeline_mode = #tpu.pipeline_mode<synchronous>, transform_indices = @transform_6, window_bounds = array<i64: 10000>}]} {
    %get3A = arith.constant 0 : index
    %get3A_0 = arith.constant 0 : index
    %get3A_1 = vector.load %arg1[%get3A, %get3A_0] : memref<10000x64xf32, #tpu.memory_space<vmem>>, vector<10000x64xf32>
    %get3A_2 = arith.constant 0 : index
    %get3A_3 = arith.constant 0 : index
    %get3A_4 = vector.load %arg2[%get3A_2, %get3A_3] : memref<10000x64xf32, #tpu.memory_space<vmem>>, vector<10000x64xf32>
    %concatenate3A = tpu.concatenate %get3A_1, %get3A_4 in 1 : vector<10000x64xf32>, vector<10000x64xf32> -> vector<10000x128xf32>
    %get3A_5 = arith.constant 0 : index
    %get3A_6 = arith.constant 0 : index
    %get3A_7 = vector.load %arg3[%get3A_5, %get3A_6] : memref<128x64xf32, #tpu.memory_space<vmem>>, vector<128x64xf32>
    %dot_general3A = arith.constant dense<0.000000e+00> : vector<10000x64xf32>
    %dot_general3A_8 = tpu.matmul %concatenate3A, %get3A_7, %dot_general3A {dimension_numbers = #tpu.dot_dimension_numbers<[1], [0], [0], [1], [0, 0, 1, 1], [], []>, transpose_lhs_hint = false} : vector<10000x128xf32>, vector<128x64xf32>, vector<10000x64xf32> -> vector<10000x64xf32>
    %get3A_9 = arith.constant 0 : index
    %get3A_10 = arith.constant 0 : index
    %get3A_11 = arith.constant 0 : index
    %get3A_12 = vector.load %arg4[%get3A_9, %get3A_10, %get3A_11] : memref<1x1x64xf32, #tpu.memory_space<vmem>>, vector<1x1x64xf32>
    %get3A_13 = vector.shape_cast %get3A_12 : vector<1x1x64xf32> to vector<1x64xf32>
    %add3A = vector.broadcast %get3A_13 : vector<1x64xf32> to vector<10000x64xf32>
    %add3A_14 = arith.addf %dot_general3A_8, %add3A : vector<10000x64xf32>
    %max3A = arith.constant 0.000000e+00 : f32
    %max3A_15 = vector.broadcast %max3A : f32 to vector<10000x64xf32>
    %max3A_16 = arith.maximumf %add3A_14, %max3A_15 : vector<10000x64xf32>
    %get3A_17 = arith.constant 0 : index
    %get3A_18 = arith.constant 0 : index
    %get3A_19 = vector.load %arg5[%get3A_17, %get3A_18] : memref<64x1xf32, #tpu.memory_space<vmem>>, vector<64x1xf32>
    %dot_general3A_20 = arith.constant dense<0.000000e+00> : vector<10000x1xf32>
    %dot_general3A_21 = tpu.matmul %max3A_16, %get3A_19, %dot_general3A_20 {dimension_numbers = #tpu.dot_dimension_numbers<[1], [0], [0], [1], [0, 0, 1, 1], [], []>, transpose_lhs_hint = false} : vector<10000x64xf32>, vector<64x1xf32>, vector<10000x1xf32> -> vector<10000x1xf32>
    %get3A_22 = arith.constant 0 : index
    %get3A_23 = arith.constant 0 : index
    %get3A_24 = arith.constant 0 : index
    %get3A_25 = vector.load %arg6[%get3A_22, %get3A_23, %get3A_24] : memref<1x1x1xf32, #tpu.memory_space<vmem>>, vector<1x1x1xf32>
    %get3A_26 = vector.extract %get3A_25[0, 0, 0] : f32 from vector<1x1x1xf32>
    %add3A_27 = vector.broadcast %get3A_26 : f32 to vector<10000x1xf32>
    %add3A_28 = arith.addf %dot_general3A_21, %add3A_27 : vector<10000x1xf32>
    %squeeze3A = vector.shape_cast %add3A_28 : vector<10000x1xf32> to vector<10000xf32>
    %swap3A = arith.constant 0 : index
    %swap3A_29 = vector.load %arg7[%swap3A] : memref<10000xf32, #tpu.memory_space<vmem>>, vector<10000xf32>
    tpu.vector_store %arg7[%swap3A], %squeeze3A {strides = array<i32>} : memref<10000xf32, #tpu.memory_space<vmem>>, vector<10000xf32>,
    return
  }
  func.func @transform_0(%arg0: i32) -> (i32, i32) {
    %c0_i32 = arith.constant 0 : i32
    %c0_i32_0 = arith.constant 0 : i32
    %c0_i32_1 = arith.constant 0 : i32
    return %c0_i32, %c0_i32_0 : i32, i32
  }
  func.func @transform_1(%arg0: i32) -> (i32, i32) {
    %c0_i32 = arith.constant 0 : i32
    %c0_i32_0 = arith.constant 0 : i32
    %c0_i32_1 = arith.constant 0 : i32
    return %c0_i32, %c0_i32_0 : i32, i32
  }
  func.func @transform_2(%arg0: i32) -> (i32, i32) {
    %c0_i32 = arith.constant 0 : i32
    %c0_i32_0 = arith.constant 0 : i32
    %c0_i32_1 = arith.constant 0 : i32
    return %c0_i32, %c0_i32_0 : i32, i32
  }
  func.func @transform_3(%arg0: i32) -> (i32, i32, i32) {
    %c0_i32 = arith.constant 0 : i32
    %c0_i32_0 = arith.constant 0 : i32
    %c0_i32_1 = arith.constant 0 : i32
    %c0_i32_2 = arith.constant 0 : i32
    return %c0_i32, %c0_i32_0, %c0_i32_1 : i32, i32, i32
  }
  func.func @transform_4(%arg0: i32) -> (i32, i32) {
    %c0_i32 = arith.constant 0 : i32
    %c0_i32_0 = arith.constant 0 : i32
    %c0_i32_1 = arith.constant 0 : i32
    return %c0_i32, %c0_i32_0 : i32, i32
  }
  func.func @transform_5(%arg0: i32) -> (i32, i32, i32) {
    %c0_i32 = arith.constant 0 : i32
    %c0_i32_0 = arith.constant 0 : i32
    %c0_i32_1 = arith.constant 0 : i32
    %c0_i32_2 = arith.constant 0 : i32
    return %c0_i32, %c0_i32_0, %c0_i32_1 : i32, i32, i32
  }
  func.func @transform_6(%arg0: i32) -> i32 {
    %c0_i32 = arith.constant 0 : i32
    %c0_i32_0 = arith.constant 0 : i32
    return %c0_i32 : i32
  }
}

</mosaic_0001>

<sc_bundles>
// kernel: kernel.10.cloned.1.call-start
scs
__scs_entry_jumppad:
0x0: {  	(pc) =	sbr.rel $0x88, $3  }
0x1: {  	(tag) =	ssettag $0x0;
	lr =	simm.s32 $0x1  }
0x2: {  	[smem:$0x3F7B] =	sst lr;
	_ =	strace $0xD0000000  }
0x3: {  	_ = 	snop  }
0x4: {  	_ = 	snop  }
0x5: {  	_ = 	snop  }
0x6: {  	_ = 	snop  }
0x7: {  	_ = 	snop  }
__scs_overlays_trampoline_lowered:
0x8: {  	[smem:$0x3F8A] =	sst s0  }
0x9: {  	[smem:$0x3F8B] =	sst s1  }
0xa: {  	[smem:$0x3F8C] =	sst s2  }
0xb: {  	[smem:$0x3F8D] =	sst s3  }
0xc: {  	[smem:$0x3F8E] =	sst s4  }
0xd: {  	[smem:$0x3F8F] =	sst s5  }
0xe: {  	[smem:$0x3F90] =	sst s6  }
0xf: {  	[smem:$0x3F91] =	sst s7  }
0x10: {  	[smem:$0x3F92] =	sst s8  }
0x11: {  	[smem:$0x3F93] =	sst s9;
	s0 =	simm.s32 @!p0 $0x0  }
0x12: {  	s1 =	sld [smem:$0x3F79];
	s0 =	simm.s32 @p0 $0x1  }
0x13: {  	[smem:$0x3F94] =	sst s0;
	s0 =	simm.s32 @!p1 $0x0  }
0x14: {  	s2 =	sld [smem:$0x3F78];
	s0 =	simm.s32 @p1 $0x1  }
0x15: {  	[smem:$0x3F95] =	sst s0;
	s0 =	simm.s32 @!p2 $0x0  }
0x16: {  	s3 =	sld [smem:$0x3FDB];
	s0 =	simm.s32 @p2 $0x1  }
0x17: {  	s4 =	simm.s32 $0x1BF5;
	[smem:$0x3F97] =	sst s0  }
0x18: {  	s0 =	sld [smem:$0x3F7A];
	_ =	swait.ge [sflag:s4], $0x0  }
0x19: {  	s7 =	sld [smem:$0x3F7B]  }
0x1a: {  	s8 =	sadd.s32 $0xFFFFE003, lr  }
0x1b: {  	s9 =	sadd.s32 $0xFFFFFEF7, lr;
	s5 =	simm.s32 $0xFFFFFFFF;
	p2 =	slt.u32 s8, $0xFFFFF086  }
0x1c: {  	p1 =	slt.u32 s9, $0xF7A;
	s5 =	simm.s32 @!p2 $0x0  }
0x1d: {  	s5 =	simm.s32 @p1 $0x1;
	p0 =	seq.s32 s7, s2  }
0x1e: {  	s7 =	smul.u32 @!p0 $0xF7A, s2;
	p2 =	seq.s32 @!p0 s5, $0x0  }
0x1f: {  	s9 =	smul.u32 $0xF7A, s1;
	s8 =	simm.s32 @!p0 $0x1BF5;
	p2 =	por !p2, p0  }
0x20: {  	[sflag:s8] =	ssyncset.s32 @!p0 $0xFFFFF086;
	s6 =	sadd.s32 @!p0 s3, s7;
	s7 =	simm.s32 @!p0 $0x108  }
0x21: {  	s3 =	sadd.s32 s3, s9;
	s6 =	sadd.s32 @!p0 $0x88, s6;
	s7 =	simm.s32 @p2 $0x1082  }
0x22: {  	[simem:s7], [sflag:s8] =	dma.local @!p0 [hbm:s6], $0xF7A  }
0x23: {  	s9 =	sor.u32 $0xD0000000, s2;
	s6 =	simm.s32 $0x108;
	_ =	swait.ge @!p0 [sflag:s8], $0x0  }
0x24: {  	s3 =	sadd.s32 $0x88, s3;
	s6 =	simm.s32 @!p1 $0x1082;
	[sflag:s4] =	ssyncset.s32 $0xFFFFF086  }
0x25: {  	[simem:s6], [sflag:s4] =	dma.local [hbm:s3], $0xF7A  }
0x26: {  	[smem:$0x3F7B] =	sst s1;
	(tag) =	ssettag s2;
	_ =	strace s9  }
0x27: {  	s1 =	sld [smem:$0x3F8B]  }
0x28: {  	s2 =	sld [smem:$0x3F8C]  }
0x29: {  	s4 =	sld [smem:$0x3F8E]  }
0x2a: {  	p0 =	seq.s32 s5, $0x0;
	s5 =	sld [smem:$0x3F8F]  }
0x2b: {  	s6 =	sld [smem:$0x3F90]  }
0x2c: {  	s7 =	sld [smem:$0x3F91]  }
0x2d: {  	s3 =	simm.s32 $0x108;
	s8 =	sld [smem:$0x3F92]  }
0x2e: {  	s3 =	simm.s32 @!p0 $0x1082;
	s9 =	sld [smem:$0x3F93]  }
0x2f: {  	lr =	sadd.s32 s0, s3;
	s0 =	sld [smem:$0x3F8A]  }
0x30: {  	s3 =	sld [smem:$0x3F8D]  }
0x31: {  	[smem:$0x3F96] =	sst s10  }
0x32: {  	s10 =	sld [smem:$0x3F94];
	_ =	sdelay $0x3  }
0x33: {  	p0 =	seq.s32 s10, $0x1;
	s10 =	sld [smem:$0x3F96];
	_ =	sdelay $0x3  }
0x34: {  	[smem:$0x3F96] =	sst s10  }
0x35: {  	s10 =	sld [smem:$0x3F95];
	_ =	sdelay $0x3  }
0x36: {  	p1 =	seq.s32 s10, $0x1;
	s10 =	sld [smem:$0x3F96];
	_ =	sdelay $0x3  }
0x37: {  	[smem:$0x3F96] =	sst s10  }
0x38: {  	s10 =	sld [smem:$0x3F97]  }
0x39: {  	_ = 	snop;
	(pc) =	sbr.ind lr, $3  }
0x3a: {  	_ = 	snop  }
0x3b: {  	_ = 	snop  }
0x3c: {  	p2 =	seq.s32 s10, $0x1;
	s10 =	sld [smem:$0x3F96]  }
0x3d: {  	_ =	shalt  }
0x3e: {  	_ =	shalt  }
0x3f: {  	_ =	shalt  }
0x40: {  	_ =	shalt  }
0x41: {  	_ =	shalt  }
0x42: {  	_ =	shalt  }
0x43: {  	_ =	shalt  }
0x44: {  	_ =	shalt  }
0x45: {  	_ =	shalt  }
0x46: {  	_ =	shalt  }
0x47: {  	_ =	shalt  }
0x48: {  	_ =	shalt  }
0x49: {  	_ =	shalt  }
0x4a: {  	_ =	shalt  }
0x4b: {  	_ =	shalt  }
0x4c: {  	_ =	shalt  }
0x4d: {  	_ =	shalt  }
0x4e: {  	_ =	shalt  }
0x4f: {  	_ =	shalt  }
0x50: {  	_ =	shalt  }
0x51: {  	_ =	shalt  }
0x52: {  	_ =	shalt  }
0x53: {  	_ =	shalt  }
0x54: {  	_ =	shalt  }
0x55: {  	_ =	shalt  }
0x56: {  	_ =	shalt  }
0x57: {  	_ =	shalt  }
0x58: {  	_ =	shalt  }
0x59: {  	_ =	shalt  }
0x5a: {  	_ =	shalt  }
0x5b: {  	_ =	shalt  }
0x5c: {  	_ =	shalt  }
0x5d: {  	_ =	shalt  }
0x5e: {  	_ =	shalt  }
0x5f: {  	_ =	shalt  }
0x60: {  	_ =	shalt  }
0x61: {  	_ =	shalt  }
0x62: {  	_ =	shalt  }
0x63: {  	_ =	shalt  }
0x64: {  	_ =	shalt  }
0x65: {  	_ =	shalt  }
0x66: {  	_ =	shalt  }
0x67: {  	_ =	shalt  }
0x68: {  	_ =	shalt  }
0x69: {  	_ =	shalt  }
0x6a: {  	_ =	shalt  }
0x6b: {  	_ =	shalt  }
0x6c: {  	_ =	shalt  }
0x6d: {  	_ =	shalt  }
0x6e: {  	_ =	shalt  }
0x6f: {  	_ =	shalt  }
0x70: {  	_ =	shalt  }
0x71: {  	_ =	shalt  }
0x72: {  	_ =	shalt  }
0x73: {  	_ =	shalt  }
0x74: {  	_ =	shalt  }
0x75: {  	_ =	shalt  }
0x76: {  	_ =	shalt  }
0x77: {  	_ =	shalt  }
0x78: {  	_ =	shalt  }
0x79: {  	_ =	shalt  }
0x7a: {  	_ =	shalt  }
0x7b: {  	_ =	shalt  }
0x7c: {  	_ =	shalt  }
0x7d: {  	_ =	shalt  }
0x7e: {  	_ =	shalt  }
0x7f: {  	_ =	shalt  }
0x80: {  	_ =	shalt  }
0x81: {  	_ =	shalt  }
0x82: {  	_ =	shalt  }
0x83: {  	_ =	shalt  }
0x84: {  	_ =	shalt  }
0x85: {  	_ =	shalt  }
0x86: {  	_ =	shalt  }
0x87: {  	_ =	shalt  }
.Lfunc_end0:
.L_simem_size_0:
called_computation_lowered:
.L_overlay_start_0:
0x88: {  	s2 =	sld [smem:$0x3FD9]  }
0x89: {  	s3 =	sld [smem:$0x3FFE];
	_ =	sdelay $0x1  }
0x8a: {  	s1 =	srdreg.scid  }
0x8b: {  	s0 =	sand.u32 $0x1, s1  }
0x8c: {  	s17 =	sshll.u32 s0, $0xA;
	s2 =	sadd.s32 s3, s2  }
0x8d: {  	s2 =	sadd.s32 s2, s17  }
0x8e: {  	[smem:$0x3FA2] =	sst s2  }
0x8f: {  	_ = 	snop  }
0x90: {  	s2 =	sld [smem:$0x3FD0];
	(tm) =	ssettm $0x1  }
0x91: {  	s18 =	sld [smem:$0x3FFB];
	_ =	sdelay $0x3  }
0x92: {  	_ =	strace s18  }
0x93: {  	s3 =	sld [smem:$0x3FFC];
	_ =	sdelay $0x3  }
0x94: {  	_ =	strace s3  }
0x95: {  	s3 =	sld [smem:$0x3FFD];
	_ =	sdelay $0x3  }
0x96: {  	_ =	strace s3  }
0x97: {  	_ =	strace $0x8FFFFFFF  }
0x98: {  	s19 =	sld [smem:$0x3FDB];
	_ =	sdelay $0x1  }
0x99: {  	s4 =	simm.s32 $_scs_section_size  }
0x9a: {  	s5 =	simm.s32 $_size__tile_overlayer_lowered;
	s6 =	simm.s32 $_tile_overlayer_lowered  }
0x9b: {  	s22 =	simm.s32 $0x1BFF;
	s21 =	sshll.u32 s6, $0x1;
	s3 =	sadd.s32 s4, s19  }
0x9c: {  	s7 =	simm.s32 $0x0;
	s20 =	sshll.u32 s5, $0x1;
	s5 =	sadd.s32 s21, s3  }
0x9d: {  	[timem:s7], [sflag:s22] =	dma.local [hbm:s5], s20  }
0x9e: {  	_ =	swait.ge [sflag:s22], s20  }
0x9f: {  	s4 =	ssub.s32 $0x0, s20;
	[sflag:s22] =	ssyncset.done $0x0  }
0xa0: {  	[sflag:s22] =	ssyncadd.s32 s4;
	_ =	sdelay $0x1  }
0xa1: {  	s23 =	simm.s32 $0x1B8B  }
0xa2: {  	_ =	swait.ge [sflag:s23], $0x1  }
0xa3: {  	[sflag:s23] =	ssyncset.done $0x0  }
0xa4: {  	s25 =	simm.s32 $0x1B8E;
	s24 =	sld [smem:$0x3FFE];
	[sflag:s23] =	ssyncadd.s32 $0xFFFFFFFF  }
0xa5: {  	s26 =	simm.s32 $execute0_lowered;
	[smem:$0x3FD2] =	sst s25  }
0xa6: {  	s5 =	sshll.u32 s26, $0x1;
	_ =	strace $0x80000046;
	[dreg:$0x1] =	wrdreg $0xFFFFFFFF  }
0xa7: {  	s28 =	simm.s32 $_size_execute0_lowered;
	s3 =	sadd.s32 s3, s5;
	[dreg:$0x0] =	wrdreg $0x0  }
0xa8: {  	s5 =	sshll.u32 s28, $0x1;
	[dreg:$0x2] =	wrdreg s3  }
0xa9: {  	[dreg:$0x3] =	wrdreg s5  }
0xaa: {  	[dreg:$0x4] =	wrdreg $0xC0  }
0xab: {  	_ =	task [dreg:s7], $0x5FFFF  }
0xac: {  	[dreg:$0x1] =	wrdreg $0xFFFFFFFF  }
0xad: {  	[dreg:$0x0] =	wrdreg $0x60  }
0xae: {  	[dreg:$0x2] =	wrdreg s24  }
0xaf: {  	[dreg:$0x3] =	wrdreg s2  }
0xb0: {  	[dreg:$0x4] =	wrdreg $0x11D000  }
0xb1: {  	[dreg:$0x5] =	wrdreg $0x1C3000  }
0xb2: {  	[dreg:$0x6] =	wrdreg $0x9  }
0xb3: {  	_ =	task.clear_ibuf [dreg:s7], $0x7FFFF;
	_ =	strace $0x90000046  }
0xb4: {  	s29 =	simm.s32 $0x9;
	_ =	strace $0x80000048  }
0xb5: {  	_ =	swait.ge [sflag:s29], $0x1  }
0xb6: {  	[sflag:s29] =	ssyncadd.s32 $0xFFFFFFFF  }
0xb7: {  	_ =	strace $0x90000048  }
0xb8: {  	_ =	sfence  }
0xb9: {  	s30 =	sld [smem:$0x0];
	_ =	sdelay $0x2  }
0xba: {  	s31 =	sshll.u32 s1, $0xD;
	s1 =	sshrl.u32 s1, $0x2  }
0xbb: {  	s3 =	sand.u32 $0x4000, s31;
	s1 =	sadd.s32 s1, s30  }
0xbc: {  	s0 =	sor.u32 s3, s0;
	s1 =	sshll.u32 s1, $0x11  }
0xbd: {  	s0 =	sor.u32 s1, s0  }
0xbe: {  	s0 =	sadd.s32 $0x8F2B, s0  }
0xbf: {  	[sflag:s0] =	ssyncadd.remote.s32 $0x1  }
0xc0: {  	_ =	sfence.sel $0xFFFF  }
0xc1: {  	[dreg:$0x0] =	wrdreg $0xFFFFFFFF;
	(pc) =	sbr.abs _section_cstart, $3  }
0xc2: {  	[dreg:$0x1] =	wrdreg $0xFFFFFFFF  }
0xc3: {  	_ =	task.clear_ibuf [dreg:s7], $0x2FFFF;
	_ =	strace $0x9FFFFFFF  }
0xc4: {  	(tm) =	ssettm $0x7FFFFFFF  }
0xc5: {  	_ =	shalt  }
tec
execute0_lowered:
.L_overlay_start_1:
0x0: {  	(tag) =	ssettag $0x1  }
0x1: {  	s0 =	rddreg [dreg:$0x0];
	s1 =	srdreg.scid  }
0x2: {  	s3 =	rddreg [dreg:$0x2];
	s14 =	stileid.u32  }
0x3: {  	s4 =	rddreg [dreg:$0x3];
	s5 =	simm.s32 $0x0;
	s18 =	simm.s32 $0x4  }
0x4: {  	s28 =	simm.s32 $0x180;
	s29 =	simm.s32 $0xFD00;
	s6 =	smul.u32 $0x4E80, s14  }
0x5: {  	s30 =	simm.s32 $0x1;
	s31 =	simm.s32 $0x2;
	s9 =	smul.u32 $0x9E00, s14  }
0x6: {  	s1 =	sand.u32 $0x1, s1;
	[smem:$0x7FF] =	sst s5;
	s11 =	smul.u32 $0x2780, s14  }
0x7: {  	s7 =	sadd.s32 $0x54C00, s0;
	s8 =	sadd.s32 $0xCA400, s0;
	s2 =	smul.u32 $0x4E800, s1  }
0x8: {  	s13 =	sadd.s32 $0xCB800, s0;
	s21 =	sshll.u32 s14, $0x6;
	s10 =	smul.u32 $0x9E000, s1  }
0x9: {  	_ =	strace $0x80000047;
	s12 =	smul.u32 $0x27800, s1;
	s1 =	ssub.s32 $0x2, s1  }
0xa: {  	[dreg:$0x5] =	wrdreg s13;
	s20 =	sshrl.u32 s1, $0x1;
	s23 =	sadd.s32 s11, s4  }
0xb: {  	s2 =	sadd.s32 s6, s2;
	s6 =	sadd.s32 $0x7BE00, s0;
	s10 =	sadd.s32 s9, s10  }
0xc: {  	s12 =	sadd.s32 s11, s12;
	s1 =	ssub.s32 s1, s20;
	s9 =	sadd.s32 s9, s3  }
0xd: {  	s20 =	sshrl.u32 s23, $0x3;
	s23 =	simm.s32 $0x9D00;
	s2 =	sshrl.u32 s2, $0x3  }
0xe: {  	s10 =	sshrl.u32 s10, $0x3;
	s12 =	sshrl.u32 s12, $0x3;
	s26 =	smax.u32 s1, $0x1  }
0xf: {  	s17 =	sshrl.u32 s9, $0x3;
	s2 =	sadd.s32 s2, s0;
	s19 =	sadd.s32 s10, s0  }
0x10: {  	s0 =	sadd.s32 s12, s0;
	[dreg:$0xb] =	wrdreg s26;
	s22 =	sadd.s32 $0xA3000, s2  }
0x11: {  	s10 =	sor.u32 $0x1C04, s21;
	s2 =	sadd.s32 $0xB6A00, s2;
	[dreg:$0x6] =	wrdreg s22  }
0x12: {  	s21 =	simm.s32 $0x1BB00;
	s24 =	sadd.s32 $0xFD000, s19;
	[dreg:$0x7] =	wrdreg s2  }
0x13: {  	s26 =	simm.s32 $0xDD00;
	s0 =	sadd.s32 $0xCBA00, s0;
	[dreg:$0x8] =	wrdreg s24  }
0x14: {  	s25 =	sadd.s32 $0xD5800, s19;
	s19 =	simm.s32 $0x4E80;
	[dreg:$0x9] =	wrdreg s0  }
0x15: {  	[dreg:$0xa] =	wrdreg s25;
	s22 =	simm.s32 $0x80;
	s24 =	simm.s32 $0xBD00  }
0x16: {  	s25 =	simm.s32 $0x100;
	s2 =	simm.s32 $0x3;
	s0 =	simm.s32 $0x0  }
.LBB2_1:
0x17: {  	[spmem:s17], [sflag:s10] =	dma.local [hbm:s8], $0x13C0  }
0x18: {  	_ =	swait.ge [sflag:s18], $0x13C0  }
0x19: {  	[sflag:s18] =	ssyncset.done $0x0  }
0x1a: {  	s1 =	rddreg [dreg:$0x6];
	[sflag:s18] =	ssyncadd.s32 $0xFFFFEC40  }
0x1b: {  	[tilespmem:s5], [sflag:$0x4] =	stream.linear.gather [hbm4b:s1+s5], $0x4E80, $0x38;
	[tilespmem:$0x1EA80] =	vst v63  }
0x1c: {  	_ =	swait.ge [sflag:s18], $0x4E80  }
0x1d: {  	[sflag:s18] =	ssyncset.done $0x0  }
0x1e: {  	s13 =	rddreg [dreg:$0x7];
	[sflag:s18] =	ssyncadd.s32 $0xFFFFB180  }
0x1f: {  	[tilespmem:s19], [sflag:$0x4] =	stream.linear.gather [hbm4b:s13+s5], $0x4E80, $0x38;
	[tilespmem:$0x1EA80] =	vst v63  }
0x20: {  	_ =	swait.ge [sflag:s18], $0x4E80  }
0x21: {  	[sflag:s18] =	ssyncset.done $0x0  }
0x22: {  	[sflag:s18] =	ssyncadd.s32 $0xFFFFB180  }
0x23: {  	s14 =	rddreg [dreg:$0x1]  }
0x24: {  	[spmem:s20], [sflag:s10] =	dma.local [hbm:s14], $0x4F0  }
0x25: {  	_ =	swait.ge [sflag:s18], $0x4F0  }
0x26: {  	[sflag:s18] =	ssyncset.done $0x0  }
0x27: {  	s15 =	rddreg [dreg:$0x5];
	[sflag:s18] =	ssyncadd.s32 $0xFFFFFB10  }
0x28: {  	[tilespmem:s21], [sflag:$0x4] =	stream.linear.gather [hbm4b:s15+s5], $0x800, $0x38;
	[tilespmem:$0x1EA80] =	vst v63  }
0x29: {  	_ =	swait.ge [sflag:s18], $0x800  }
0x2a: {  	[sflag:s18] =	ssyncset.done $0x0  }
0x2b: {  	[sflag:s18] =	ssyncadd.s32 $0xFFFFF800  }
0x2c: {  	[bflag:$0x0] =	sbarrier.arrive $0xFFFF  }
0x2d: {  	[tilespmem:s23], [sflag:$0x1] =	stream.indirect.gather [hbm4b:s6+s22], $0x40, s5, s22, $0xb8;
	[tilespmem:$0x1EA80] =	vst v63  }
0x2e: {  	_ = 	snop  }
0x2f: {  	[tilespmem:s24], [sflag:$0x1] =	stream.indirect.gather [hbm4b:s6+s22], $0x40, s22, s22, $0xb8;
	[tilespmem:$0x1EA80] =	vst v63  }
0x30: {  	_ = 	snop  }
0x31: {  	[tilespmem:s26], [sflag:$0x1] =	stream.indirect.gather [hbm4b:s6+s22], $0x40, s25, s22, $0xb8;
	[tilespmem:$0x1EA80] =	vst v63  }
0x32: {  	_ =	swait.ge [sflag:s30], $0x2000  }
0x33: {  	[sflag:s30] =	ssyncset.done $0x0  }
0x34: {  	[sflag:s30] =	ssyncadd.s32 $0xFFFFE000  }
0x35: {  	[spmem:s3] =	stream.indirect.scatter.add.f32 [tilespmem:s23], [sflag:$0x2], $0x40, s19, s22, $0xb8;
	[tilespmem:$0x1EA80] =	vst v63  }
0x36: {  	_ = 	snop  }
0x37: {  	[spmem:s4] =	stream.indirect.scatter.add.f32 [tilespmem:s21], [sflag:$0x3], $0x10, s19, s22, $0xb8;
	[tilespmem:$0x1EA80] =	vst v63  }
0x38: {  	_ = 	snop  }
0x39: {  	[tilespmem:s29], [sflag:$0x1] =	stream.indirect.gather [hbm4b:s6+s22], $0x40, s28, s22, $0xb8;
	[tilespmem:$0x1EA80] =	vst v63  }
0x3a: {  	s16 =	simm.s32 $0x2000;
	_ =	swait.ge [sflag:s30], $0x2000  }
0x3b: {  	s1 =	sand.u32 $0x6000, s16;
	[sflag:s30] =	ssyncset.done $0x0  }
0x3c: {  	s9 =	simm.s32 $0x4F00;
	s1 =	sor.u32 $0x9D00, s1;
	[sflag:s30] =	ssyncadd.s32 $0xFFFFE000  }
0x3d: {  	[spmem:s3] =	stream.indirect.scatter.add.f32 [tilespmem:s1], [sflag:$0x2], $0x40, s9, s22, $0xb8;
	[tilespmem:$0x1EA80] =	vst v63  }
0x3e: {  	_ = 	snop  }
0x3f: {  	[spmem:s4] =	stream.indirect.scatter.add.f32 [tilespmem:s21], [sflag:$0x3], $0x10, s9, s22, $0xb8;
	[tilespmem:$0x1EA80] =	vst v63  }
0x40: {  	_ =	swait.ge [sflag:s31], $0x2000  }
0x41: {  	s11 =	simm.s32 $0x4F80;
	p1 =	por $0x0, $0x0;
	[sflag:s31] =	ssyncset.done $0x0  }
0x42: {  	s12 =	simm.s32 $0x280;
	s13 =	simm.s32 $0x8000;
	[sflag:s31] =	ssyncadd.s32 $0xFFFFE000  }
0x43: {  	s14 =	sand.u32 @!p1 $0x6000, s13;
	s13 =	simm.s32 $0xA000;
	_ =	swait.ge [sflag:s2], $0x800  }
0x44: {  	s14 =	sor.u32 @!p1 $0x9D00, s14;
	s15 =	simm.s32 @!p1 $0x80;
	[sflag:s2] =	ssyncset.done $0x0  }
0x45: {  	s1 =	simm.s32 $0x200;
	s9 =	simm.s32 $0x2;
	[sflag:s2] =	ssyncadd.s32 $0xFFFFF800  }
.LBB2_2:
0x46: {  	[tilespmem:s14], [sflag:$0x1] =	stream.indirect.gather @!p1 [hbm4b:s6+s15], $0x40, s1, s15, $0xb8;
	[tilespmem:$0x1EA80] =	vst v63  }
0x47: {  	s14 =	smov.u32 s9;
	s1 =	smov.u32 s12  }
0x48: {  	s15 =	sadd.s32 $0xFFFFA000, s13;
	s9 =	sadd.s32 $0x1, s9;
	_ =	swait.ge [sflag:s30], $0x2000  }
0x49: {  	s15 =	sand.u32 $0x6000, s15;
	p0 =	sne.s32 s9, $0x9D;
	[sflag:s30] =	ssyncset.done $0x0  }
0x4a: {  	s15 =	sor.u32 $0x9D00, s15;
	[sflag:s30] =	ssyncadd.s32 $0xFFFFE000  }
0x4b: {  	[spmem:s3] =	stream.indirect.scatter.add.f32 [tilespmem:s15], [sflag:$0x2], $0x40, s11, s22, $0xb8;
	[tilespmem:$0x1EA80] =	vst v63  }
0x4c: {  	_ = 	snop  }
0x4d: {  	[spmem:s4] =	stream.indirect.scatter.add.f32 [tilespmem:s21], [sflag:$0x3], $0x10, s11, s22, $0xb8;
	[tilespmem:$0x1EA80] =	vst v63  }
0x4e: {  	_ =	swait.ge [sflag:s31], $0x2000  }
.Ltmp0:
0x4f: {  	[sflag:s31] =	ssyncset.done $0x0;
	(pc) =	sbr.rel @p0 .LBB2_2-.Ltmp0, $4  }
0x50: {  	s11 =	sadd.s32 $0x80, s11;
	[sflag:s31] =	ssyncadd.s32 $0xFFFFE000  }
0x51: {  	s12 =	sadd.s32 $0x80, s12;
	p1 =	sgt.u32 s14, $0x99;
	_ =	swait.ge [sflag:s2], $0x800  }
0x52: {  	s14 =	sand.u32 @!p1 $0x6000, s13;
	s13 =	sadd.s32 $0x2000, s13;
	[sflag:s2] =	ssyncset.done $0x0  }
0x53: {  	s14 =	sor.u32 @!p1 $0x9D00, s14;
	s15 =	simm.s32 @!p1 $0x80;
	[sflag:s2] =	ssyncadd.s32 $0xFFFFF800  }
0x54: {  	[tilespmem:s14], [sflag:$0x1] =	stream.indirect.gather @!p1 [hbm4b:s6+s15], $0x40, s1, s15, $0xb8;
	[tilespmem:$0x1EA80] =	vst v63  }
0x55: {  	_ =	swait.ge [sflag:s31], $0x2000  }
0x56: {  	[sflag:s31] =	ssyncset.done $0x0  }
0x57: {  	[sflag:s31] =	ssyncadd.s32 $0xFFFFE000  }
0x58: {  	_ =	swait.ge [sflag:s2], $0x800  }
0x59: {  	[sflag:s2] =	ssyncset.done $0x0  }
0x5a: {  	[sflag:s2] =	ssyncadd.s32 $0xFFFFF800  }
0x5b: {  	[bflag:$0x0] =	sbarrier.arrive $0xFFFF  }
0x5c: {  	s13 =	rddreg [dreg:$0x8]  }
0x5d: {  	[hbm:s13], [sflag:s10] =	dma.local [spmem:s17], $0x13C0  }
0x5e: {  	_ =	swait.ge [sflag:s18], $0x13C0  }
0x5f: {  	[sflag:s18] =	ssyncset.done $0x0  }
0x60: {  	s14 =	rddreg [dreg:$0x9];
	[sflag:s18] =	ssyncadd.s32 $0xFFFFEC40  }
0x61: {  	[hbm:s14], [sflag:s10] =	dma.local [spmem:s20], $0x4F0  }
0x62: {  	_ =	swait.ge [sflag:s18], $0x4F0  }
0x63: {  	[sflag:s18] =	ssyncset.done $0x0  }
0x64: {  	[sflag:s18] =	ssyncadd.s32 $0xFFFFFB10  }
0x65: {  	[spmem:s17], [sflag:s10] =	dma.local [hbm:s8], $0x13C0  }
0x66: {  	_ =	swait.ge [sflag:s18], $0x13C0  }
0x67: {  	[sflag:s18] =	ssyncset.done $0x0  }
0x68: {  	[sflag:s18] =	ssyncadd.s32 $0xFFFFEC40  }
0x69: {  	[bflag:$0x0] =	sbarrier.arrive $0xFFFF  }
0x6a: {  	[tilespmem:s23], [sflag:$0x1] =	stream.indirect.gather [hbm4b:s7+s22], $0x40, s5, s22, $0xb8;
	[tilespmem:$0x1EA80] =	vst v63  }
0x6b: {  	_ = 	snop  }
0x6c: {  	[tilespmem:s24], [sflag:$0x1] =	stream.indirect.gather [hbm4b:s7+s22], $0x40, s22, s22, $0xb8;
	[tilespmem:$0x1EA80] =	vst v63  }
0x6d: {  	s15 =	simm.s32 $0x1  }
0x6e: {  	[tilespmem:s26], [sflag:$0x1] =	stream.indirect.gather [hbm4b:s7+s22], $0x40, s25, s22, $0xb8;
	[tilespmem:$0x1EA80] =	vst v63  }
0x6f: {  	_ =	swait.ge [sflag:s15], $0x2000  }
0x70: {  	[sflag:s15] =	ssyncset.done $0x0  }
0x71: {  	[sflag:s15] =	ssyncadd.s32 $0xFFFFE000  }
0x72: {  	[spmem:s3] =	stream.indirect.scatter.add.f32 [tilespmem:s23], [sflag:$0x2], $0x40, s19, s22, $0xb8;
	[tilespmem:$0x1EA80] =	vst v63  }
0x73: {  	s1 =	simm.s32 $0x200;
	s12 =	simm.s32 $0x4F00  }
0x74: {  	[tilespmem:s29], [sflag:$0x1] =	stream.indirect.gather [hbm4b:s7+s22], $0x40, s28, s22, $0xb8;
	[tilespmem:$0x1EA80] =	vst v63  }
0x75: {  	s11 =	simm.s32 $0x2000;
	s9 =	simm.s32 $0x2;
	_ =	swait.ge [sflag:s30], $0x2000  }
0x76: {  	p0 =	por $0x0, $0x0;
	s16 =	sand.u32 $0x6000, s11;
	[sflag:s30] =	ssyncset.done $0x0  }
0x77: {  	s11 =	simm.s32 $0x4F80;
	s14 =	sor.u32 $0x9D00, s16;
	[sflag:s30] =	ssyncadd.s32 $0xFFFFE000  }
0x78: {  	[spmem:s3] =	stream.indirect.scatter.add.f32 [tilespmem:s14], [sflag:$0x2], $0x40, s12, s22, $0xb8;
	[tilespmem:$0x1EA80] =	vst v63  }
0x79: {  	s13 =	simm.s32 $0x8000;
	s15 =	simm.s32 @!p0 $0x80;
	_ =	swait.ge [sflag:s31], $0x2000  }
0x7a: {  	s12 =	simm.s32 $0x280;
	s14 =	sand.u32 @!p0 $0x6000, s13;
	[sflag:s31] =	ssyncset.done $0x0  }
0x7b: {  	s13 =	simm.s32 $0xA000;
	s14 =	sor.u32 @!p0 $0x9D00, s14;
	[sflag:s31] =	ssyncadd.s32 $0xFFFFE000  }
.LBB2_4:
0x7c: {  	[tilespmem:s14], [sflag:$0x1] =	stream.indirect.gather @!p0 [hbm4b:s7+s15], $0x40, s1, s15, $0xb8;
	[tilespmem:$0x1EA80] =	vst v63  }
0x7d: {  	s14 =	smov.u32 s9;
	s15 =	smov.u32 s11;
	s1 =	smov.u32 s12  }
0x7e: {  	s9 =	sadd.s32 $0x1, s9  }
0x7f: {  	s16 =	sadd.s32 $0xFFFFA000, s13;
	p1 =	sne.s32 s9, $0x9D;
	_ =	swait.ge [sflag:s30], $0x2000  }
0x80: {  	s11 =	sadd.s32 $0x80, s11;
	s16 =	sand.u32 $0x6000, s16;
	[sflag:s30] =	ssyncset.done $0x0  }
.Ltmp1:
0x81: {  	s16 =	sor.u32 $0x9D00, s16;
	[sflag:s30] =	ssyncadd.s32 $0xFFFFE000;
	(pc) =	sbr.rel @p1 .LBB2_4-.Ltmp1, $4  }
0x82: {  	[spmem:s3] =	stream.indirect.scatter.add.f32 [tilespmem:s16], [sflag:$0x2], $0x40, s15, s22, $0xb8;
	[tilespmem:$0x1EA80] =	vst v63  }
0x83: {  	s12 =	sadd.s32 $0x80, s12;
	p0 =	sgt.u32 s14, $0x99;
	_ =	swait.ge [sflag:s31], $0x2000  }
0x84: {  	s14 =	sand.u32 @!p0 $0x6000, s13;
	s13 =	sadd.s32 $0x2000, s13;
	[sflag:s31] =	ssyncset.done $0x0  }
0x85: {  	s14 =	sor.u32 @!p0 $0x9D00, s14;
	s15 =	simm.s32 @!p0 $0x80;
	[sflag:s31] =	ssyncadd.s32 $0xFFFFE000  }
0x86: {  	[tilespmem:s14], [sflag:$0x1] =	stream.indirect.gather @!p0 [hbm4b:s7+s15], $0x40, s1, s15, $0xb8;
	[tilespmem:$0x1EA80] =	vst v63  }
0x87: {  	_ =	swait.ge [sflag:s31], $0x2000  }
0x88: {  	[sflag:s31] =	ssyncset.done $0x0  }
0x89: {  	[sflag:s31] =	ssyncadd.s32 $0xFFFFE000  }
0x8a: {  	[bflag:$0x0] =	sbarrier.arrive $0xFFFF  }
0x8b: {  	s15 =	rddreg [dreg:$0xa]  }
0x8c: {  	[hbm:s15], [sflag:s10] =	dma.local [spmem:s17], $0x13C0  }
0x8d: {  	_ =	swait.ge [sflag:s18], $0x13C0  }
0x8e: {  	s0 =	sadd.s32 $0x1, s0;
	s16 =	rddreg [dreg:$0xb]  }
0x8f: {  	p0 =	sne.s32 s0, s16  }
.Ltmp2:
0x90: {  	_ = 	snop;
	(pc) =	sbr.rel @p0 .LBB2_1-.Ltmp2, $3  }
0x91: {  	_ =	sdelay $0x1  }
0x92: {  	[sflag:s18] =	ssyncset.done $0x0  }
0x93: {  	[sflag:s18] =	ssyncadd.s32 $0xFFFFEC40  }
0x94: {  	_ =	sfence.sel $0x180000  }
0x95: {  	[bflag:$0x0] =	sbarrier.arrive $0xFFFF  }
0x96: {  	_ =	strace $0x90000047  }
0x97: {  	s0 =	stileid.u32;
	[bflag:$0x2] =	sbarrier.arrive $0xFFFF  }
0x98: {  	p0 =	sne.s32 s0, $0x0;
	s0 =	rddreg [dreg:$0x4]  }
0x99: {  	s0 =	sadd.s32 @!p0 $0x100000, s0  }
0x9a: {  	[sflag:s0] =	ssyncadd.tile.s32 @!p0 $0x1;
	_ =	shalt  }
.Lfunc_end2:
_tile_overlayer_lowered:
.L_overlay_start_2:
0x9b: {  	(tag) =	ssettag $0x2  }
0x9c: {  	s0 =	rddreg [dreg:$0x0];
	s2 =	stileid.u32  }
0x9d: {  	s1 =	rddreg [dreg:$0x1];
	p0 =	sne.s32 s2, $0x0  }
0x9e: {  	s3 =	rddreg [dreg:$0x2];
	[bflag:$0x3] =	sbarrier.arrive $0xFFFF;
	s2 =	simm.s32 @!p0 $0x1C04  }
0x9f: {  	[timem:s3], [sflag:s2] =	dma.local @!p0 [hbm:s0], s1  }
0xa0: {  	s0 =	simm.s32 @!p0 $0x4  }
0xa1: {  	_ =	swait.ge @!p0 [sflag:s0], s1  }
0xa2: {  	s1 =	ssub.s32 @!p0 $0x0, s1;
	[sflag:s0] =	ssyncset.done @!p0 $0x0  }
0xa3: {  	[sflag:s0] =	ssyncadd.s32 @!p0 s1  }
0xa4: {  	[bflag:$0x3] =	sbarrier.arrive $0xFFFF  }
0xa5: {  	_ =	shalt  }

// kernel: kernel.13.cloned.1.call-start
scs
__scs_entry_jumppad:
0x0: {  	(pc) =	sbr.rel $0x88, $3  }
0x1: {  	(tag) =	ssettag $0x0;
	lr =	simm.s32 $0x1  }
0x2: {  	[smem:$0x3F7B] =	sst lr;
	_ =	strace $0xD0000000  }
0x3: {  	_ = 	snop  }
0x4: {  	_ = 	snop  }
0x5: {  	_ = 	snop  }
0x6: {  	_ = 	snop  }
0x7: {  	_ = 	snop  }
__scs_overlays_trampoline_lowered:
0x8: {  	[smem:$0x3F8A] =	sst s0  }
0x9: {  	[smem:$0x3F8B] =	sst s1  }
0xa: {  	[smem:$0x3F8C] =	sst s2  }
0xb: {  	[smem:$0x3F8D] =	sst s3  }
0xc: {  	[smem:$0x3F8E] =	sst s4  }
0xd: {  	[smem:$0x3F8F] =	sst s5  }
0xe: {  	[smem:$0x3F90] =	sst s6  }
0xf: {  	[smem:$0x3F91] =	sst s7  }
0x10: {  	[smem:$0x3F92] =	sst s8  }
0x11: {  	[smem:$0x3F93] =	sst s9;
	s0 =	simm.s32 @!p0 $0x0  }
0x12: {  	s1 =	sld [smem:$0x3F79];
	s0 =	simm.s32 @p0 $0x1  }
0x13: {  	[smem:$0x3F94] =	sst s0;
	s0 =	simm.s32 @!p1 $0x0  }
0x14: {  	s2 =	sld [smem:$0x3F78];
	s0 =	simm.s32 @p1 $0x1  }
0x15: {  	[smem:$0x3F95] =	sst s0;
	s0 =	simm.s32 @!p2 $0x0  }
0x16: {  	s3 =	sld [smem:$0x3FDB];
	s0 =	simm.s32 @p2 $0x1  }
0x17: {  	s4 =	simm.s32 $0x1BF5;
	[smem:$0x3F97] =	sst s0  }
0x18: {  	s0 =	sld [smem:$0x3F7A];
	_ =	swait.ge [sflag:s4], $0x0  }
0x19: {  	s7 =	sld [smem:$0x3F7B]  }
0x1a: {  	s8 =	sadd.s32 $0xFFFFE003, lr  }
0x1b: {  	s9 =	sadd.s32 $0xFFFFFEF7, lr;
	s5 =	simm.s32 $0xFFFFFFFF;
	p2 =	slt.u32 s8, $0xFFFFF086  }
0x1c: {  	p1 =	slt.u32 s9, $0xF7A;
	s5 =	simm.s32 @!p2 $0x0  }
0x1d: {  	s5 =	simm.s32 @p1 $0x1;
	p0 =	seq.s32 s7, s2  }
0x1e: {  	s7 =	smul.u32 @!p0 $0xF7A, s2;
	p2 =	seq.s32 @!p0 s5, $0x0  }
0x1f: {  	s9 =	smul.u32 $0xF7A, s1;
	s8 =	simm.s32 @!p0 $0x1BF5;
	p2 =	por !p2, p0  }
0x20: {  	[sflag:s8] =	ssyncset.s32 @!p0 $0xFFFFF086;
	s6 =	sadd.s32 @!p0 s3, s7;
	s7 =	simm.s32 @!p0 $0x108  }
0x21: {  	s3 =	sadd.s32 s3, s9;
	s6 =	sadd.s32 @!p0 $0x88, s6;
	s7 =	simm.s32 @p2 $0x1082  }
0x22: {  	[simem:s7], [sflag:s8] =	dma.local @!p0 [hbm:s6], $0xF7A  }
0x23: {  	s9 =	sor.u32 $0xD0000000, s2;
	s6 =	simm.s32 $0x108;
	_ =	swait.ge @!p0 [sflag:s8], $0x0  }
0x24: {  	s3 =	sadd.s32 $0x88, s3;
	s6 =	simm.s32 @!p1 $0x1082;
	[sflag:s4] =	ssyncset.s32 $0xFFFFF086  }
0x25: {  	[simem:s6], [sflag:s4] =	dma.local [hbm:s3], $0xF7A  }
0x26: {  	[smem:$0x3F7B] =	sst s1;
	(tag) =	ssettag s2;
	_ =	strace s9  }
0x27: {  	s1 =	sld [smem:$0x3F8B]  }
0x28: {  	s2 =	sld [smem:$0x3F8C]  }
0x29: {  	s4 =	sld [smem:$0x3F8E]  }
0x2a: {  	p0 =	seq.s32 s5, $0x0;
	s5 =	sld [smem:$0x3F8F]  }
0x2b: {  	s6 =	sld [smem:$0x3F90]  }
0x2c: {  	s7 =	sld [smem:$0x3F91]  }
0x2d: {  	s3 =	simm.s32 $0x108;
	s8 =	sld [smem:$0x3F92]  }
0x2e: {  	s3 =	simm.s32 @!p0 $0x1082;
	s9 =	sld [smem:$0x3F93]  }
0x2f: {  	lr =	sadd.s32 s0, s3;
	s0 =	sld [smem:$0x3F8A]  }
0x30: {  	s3 =	sld [smem:$0x3F8D]  }
0x31: {  	[smem:$0x3F96] =	sst s10  }
0x32: {  	s10 =	sld [smem:$0x3F94];
	_ =	sdelay $0x3  }
0x33: {  	p0 =	seq.s32 s10, $0x1;
	s10 =	sld [smem:$0x3F96];
	_ =	sdelay $0x3  }
0x34: {  	[smem:$0x3F96] =	sst s10  }
0x35: {  	s10 =	sld [smem:$0x3F95];
	_ =	sdelay $0x3  }
0x36: {  	p1 =	seq.s32 s10, $0x1;
	s10 =	sld [smem:$0x3F96];
	_ =	sdelay $0x3  }
0x37: {  	[smem:$0x3F96] =	sst s10  }
0x38: {  	s10 =	sld [smem:$0x3F97]  }
0x39: {  	_ = 	snop;
	(pc) =	sbr.ind lr, $3  }
0x3a: {  	_ = 	snop  }
0x3b: {  	_ = 	snop  }
0x3c: {  	p2 =	seq.s32 s10, $0x1;
	s10 =	sld [smem:$0x3F96]  }
0x3d: {  	_ =	shalt  }
0x3e: {  	_ =	shalt  }
0x3f: {  	_ =	shalt  }
0x40: {  	_ =	shalt  }
0x41: {  	_ =	shalt  }
0x42: {  	_ =	shalt  }
0x43: {  	_ =	shalt  }
0x44: {  	_ =	shalt  }
0x45: {  	_ =	shalt  }
0x46: {  	_ =	shalt  }
0x47: {  	_ =	shalt  }
0x48: {  	_ =	shalt  }
0x49: {  	_ =	shalt  }
0x4a: {  	_ =	shalt  }
0x4b: {  	_ =	shalt  }
0x4c: {  	_ =	shalt  }
0x4d: {  	_ =	shalt  }
0x4e: {  	_ =	shalt  }
0x4f: {  	_ =	shalt  }
0x50: {  	_ =	shalt  }
0x51: {  	_ =	shalt  }
0x52: {  	_ =	shalt  }
0x53: {  	_ =	shalt  }
0x54: {  	_ =	shalt  }
0x55: {  	_ =	shalt  }
0x56: {  	_ =	shalt  }
0x57: {  	_ =	shalt  }
0x58: {  	_ =	shalt  }
0x59: {  	_ =	shalt  }
0x5a: {  	_ =	shalt  }
0x5b: {  	_ =	shalt  }
0x5c: {  	_ =	shalt  }
0x5d: {  	_ =	shalt  }
0x5e: {  	_ =	shalt  }
0x5f: {  	_ =	shalt  }
0x60: {  	_ =	shalt  }
0x61: {  	_ =	shalt  }
0x62: {  	_ =	shalt  }
0x63: {  	_ =	shalt  }
0x64: {  	_ =	shalt  }
0x65: {  	_ =	shalt  }
0x66: {  	_ =	shalt  }
0x67: {  	_ =	shalt  }
0x68: {  	_ =	shalt  }
0x69: {  	_ =	shalt  }
0x6a: {  	_ =	shalt  }
0x6b: {  	_ =	shalt  }
0x6c: {  	_ =	shalt  }
0x6d: {  	_ =	shalt  }
0x6e: {  	_ =	shalt  }
0x6f: {  	_ =	shalt  }
0x70: {  	_ =	shalt  }
0x71: {  	_ =	shalt  }
0x72: {  	_ =	shalt  }
0x73: {  	_ =	shalt  }
0x74: {  	_ =	shalt  }
0x75: {  	_ =	shalt  }
0x76: {  	_ =	shalt  }
0x77: {  	_ =	shalt  }
0x78: {  	_ =	shalt  }
0x79: {  	_ =	shalt  }
0x7a: {  	_ =	shalt  }
0x7b: {  	_ =	shalt  }
0x7c: {  	_ =	shalt  }
0x7d: {  	_ =	shalt  }
0x7e: {  	_ =	shalt  }
0x7f: {  	_ =	shalt  }
0x80: {  	_ =	shalt  }
0x81: {  	_ =	shalt  }
0x82: {  	_ =	shalt  }
0x83: {  	_ =	shalt  }
0x84: {  	_ =	shalt  }
0x85: {  	_ =	shalt  }
0x86: {  	_ =	shalt  }
0x87: {  	_ =	shalt  }
.Lfunc_end0:
.L_simem_size_0:
called_computation.1_lowered:
.L_overlay_start_0:
0x88: {  	s2 =	sld [smem:$0x3FD9]  }
0x89: {  	s3 =	sld [smem:$0x3FFE];
	_ =	sdelay $0x1  }
0x8a: {  	s1 =	srdreg.scid  }
0x8b: {  	s0 =	sand.u32 $0x1, s1  }
0x8c: {  	s16 =	sshll.u32 s0, $0xA;
	s2 =	sadd.s32 s3, s2  }
0x8d: {  	s2 =	sadd.s32 s2, s16  }
0x8e: {  	[smem:$0x3FA2] =	sst s2  }
0x8f: {  	_ = 	snop  }
0x90: {  	(tm) =	ssettm $0x1  }
0x91: {  	s17 =	sld [smem:$0x3FFB];
	_ =	sdelay $0x3  }
0x92: {  	_ =	strace s17  }
0x93: {  	s2 =	sld [smem:$0x3FFC];
	_ =	sdelay $0x3  }
0x94: {  	_ =	strace s2  }
0x95: {  	s2 =	sld [smem:$0x3FFD];
	_ =	sdelay $0x3  }
0x96: {  	_ =	strace s2  }
0x97: {  	_ =	strace $0x8FFFFFFF  }
0x98: {  	s18 =	sld [smem:$0x3FDB];
	_ =	sdelay $0x1  }
0x99: {  	s19 =	simm.s32 $_scs_section_size  }
0x9a: {  	s4 =	simm.s32 $_size__tile_overlayer_lowered;
	s5 =	simm.s32 $_tile_overlayer_lowered  }
0x9b: {  	s22 =	simm.s32 $0x1BFF;
	s21 =	sshll.u32 s5, $0x1;
	s2 =	sadd.s32 s19, s18  }
0x9c: {  	s6 =	simm.s32 $0x0;
	s20 =	sshll.u32 s4, $0x1;
	s4 =	sadd.s32 s21, s2  }
0x9d: {  	[timem:s6], [sflag:s22] =	dma.local [hbm:s4], s20  }
0x9e: {  	_ =	swait.ge [sflag:s22], s20  }
0x9f: {  	s3 =	ssub.s32 $0x0, s20;
	[sflag:s22] =	ssyncset.done $0x0  }
0xa0: {  	[sflag:s22] =	ssyncadd.s32 s3;
	_ =	sdelay $0x1  }
0xa1: {  	s23 =	simm.s32 $0x1B8B  }
0xa2: {  	_ =	swait.ge [sflag:s23], $0x1  }
0xa3: {  	[sflag:s23] =	ssyncset.done $0x0  }
0xa4: {  	s25 =	simm.s32 $0x1B8E;
	s24 =	sld [smem:$0x3FFE];
	[sflag:s23] =	ssyncadd.s32 $0xFFFFFFFF  }
0xa5: {  	s26 =	simm.s32 $execute0_lowered;
	[smem:$0x3FD2] =	sst s25  }
0xa6: {  	s4 =	sshll.u32 s26, $0x1;
	_ =	strace $0x80000049;
	[dreg:$0x1] =	wrdreg $0xFFFFFFFF  }
0xa7: {  	s28 =	simm.s32 $_size_execute0_lowered;
	s2 =	sadd.s32 s2, s4;
	[dreg:$0x0] =	wrdreg $0x0  }
0xa8: {  	s4 =	sshll.u32 s28, $0x1;
	[dreg:$0x2] =	wrdreg s2  }
0xa9: {  	[dreg:$0x3] =	wrdreg s4  }
0xaa: {  	[dreg:$0x4] =	wrdreg $0xC0  }
0xab: {  	_ =	task [dreg:s6], $0x5FFFF  }
0xac: {  	[dreg:$0x1] =	wrdreg $0xFFFFFFFF  }
0xad: {  	[dreg:$0x0] =	wrdreg $0x60  }
0xae: {  	[dreg:$0x2] =	wrdreg s24  }
0xaf: {  	[dreg:$0x3] =	wrdreg $0x15D000  }
0xb0: {  	[dreg:$0x4] =	wrdreg $0x9  }
0xb1: {  	_ =	task.clear_ibuf [dreg:s6], $0x5FFFF;
	_ =	strace $0x90000049  }
0xb2: {  	s29 =	simm.s32 $0x9;
	_ =	strace $0x8000004B  }
0xb3: {  	_ =	swait.ge [sflag:s29], $0x1  }
0xb4: {  	[sflag:s29] =	ssyncadd.s32 $0xFFFFFFFF  }
0xb5: {  	_ =	strace $0x9000004B  }
0xb6: {  	_ =	sfence  }
0xb7: {  	s30 =	sld [smem:$0x0];
	_ =	sdelay $0x2  }
0xb8: {  	s31 =	sshll.u32 s1, $0xD;
	s1 =	sshrl.u32 s1, $0x2  }
0xb9: {  	s3 =	sand.u32 $0x4000, s31;
	s1 =	sadd.s32 s1, s30  }
0xba: {  	s0 =	sor.u32 s3, s0;
	s1 =	sshll.u32 s1, $0x11  }
0xbb: {  	s0 =	sor.u32 s1, s0  }
0xbc: {  	s0 =	sadd.s32 $0x8F2B, s0  }
0xbd: {  	[sflag:s0] =	ssyncadd.remote.s32 $0x1  }
0xbe: {  	_ =	sfence.sel $0xFFFF  }
0xbf: {  	[dreg:$0x0] =	wrdreg $0xFFFFFFFF;
	(pc) =	sbr.abs _section_cstart, $3  }
0xc0: {  	[dreg:$0x1] =	wrdreg $0xFFFFFFFF  }
0xc1: {  	_ =	task.clear_ibuf [dreg:s6], $0x2FFFF;
	_ =	strace $0x9FFFFFFF  }
0xc2: {  	(tm) =	ssettm $0x7FFFFFFF  }
0xc3: {  	_ =	shalt  }
tec
execute0_lowered:
.L_overlay_start_1:
0x0: {  	(tag) =	ssettag $0x1  }
0x1: {  	s7 =	rddreg [dreg:$0x0];
	s0 =	srdreg.scid  }
0x2: {  	s2 =	rddreg [dreg:$0x1];
	s1 =	stileid.u32  }
0x3: {  	s3 =	simm.s32 $0x0;
	s15 =	simm.s32 $0x80;
	s16 =	simm.s32 $0x9D00  }
0x4: {  	s17 =	simm.s32 $0xBD00;
	s18 =	simm.s32 $0x100;
	s19 =	simm.s32 $0xDD00  }
0x5: {  	s20 =	simm.s32 $0x180;
	s21 =	simm.s32 $0xFD00;
	s22 =	simm.s32 $0x200  }
0x6: {  	s23 =	simm.s32 $0x11D00;
	s24 =	simm.s32 $0x1;
	s25 =	simm.s32 $0x2  }
0x7: {  	s26 =	simm.s32 $0x0;
	s6 =	sand.u32 $0x1, s0;
	s5 =	smul.u32 $0x4E80, s1  }
0x8: {  	[smem:$0x7FF] =	sst s3;
	s8 =	smul.u32 $0x9E00, s1;
	s31 =	sshll.u32 s1, $0x6  }
0x9: {  	s4 =	smul.u32 $0x4E800, s6;
	_ =	strace $0x8000004A;
	s11 =	ssub.s32 $0x2, s6  }
0xa: {  	s10 =	smul.u32 $0x9E000, s6;
	s6 =	sadd.s32 $0xCA400, s7;
	s12 =	sshrl.u32 s11, $0x1  }
0xb: {  	s14 =	sadd.s32 s8, s2;
	s9 =	sadd.s32 s5, s4;
	s4 =	sadd.s32 $0x2DC00, s7  }
0xc: {  	s5 =	sadd.s32 $0x6A00, s7;
	s10 =	sadd.s32 s8, s10;
	s12 =	ssub.s32 s11, s12  }
0xd: {  	s9 =	sshrl.u32 s9, $0x3;
	s10 =	sshrl.u32 s10, $0x3;
	s12 =	smax.u32 s12, $0x1  }
0xe: {  	s9 =	sadd.s32 s9, s7;
	s13 =	sadd.s32 s10, s7;
	s7 =	sor.u32 $0x1C03, s31  }
0xf: {  	s8 =	sadd.s32 $0xA3000, s9;
	s9 =	sadd.s32 $0xB6A00, s9;
	s10 =	sadd.s32 $0x173800, s13  }
0x10: {  	s11 =	sadd.s32 $0x54E00, s13;
	s13 =	sshrl.u32 s14, $0x3;
	s14 =	simm.s32 $0x3  }
.LBB2_1:
0x11: {  	[spmem:s13], [sflag:s7] =	dma.local [hbm:s6], $0x13C0  }
0x12: {  	_ =	swait.ge [sflag:s14], $0x13C0  }
0x13: {  	[sflag:s14] =	ssyncset.done $0x0  }
0x14: {  	[sflag:s14] =	ssyncadd.s32 $0xFFFFEC40  }
0x15: {  	[tilespmem:s3], [sflag:$0x3] =	stream.linear.gather [hbm4b:s8+s3], $0x4E80, $0x38;
	[tilespmem:$0x1FB00] =	vst v63  }
0x16: {  	_ =	swait.ge [sflag:s14], $0x4E80  }
0x17: {  	[sflag:s14] =	ssyncset.done $0x0  }
0x18: {  	s28 =	simm.s32 $0x4E80;
	[sflag:s14] =	ssyncadd.s32 $0xFFFFB180  }
0x19: {  	[tilespmem:s28], [sflag:$0x3] =	stream.linear.gather [hbm4b:s9+s3], $0x4E80, $0x38;
	[tilespmem:$0x1FB00] =	vst v63  }
0x1a: {  	_ =	swait.ge [sflag:s14], $0x4E80  }
0x1b: {  	[sflag:s14] =	ssyncset.done $0x0  }
0x1c: {  	[sflag:s14] =	ssyncadd.s32 $0xFFFFB180  }
0x1d: {  	[bflag:$0x0] =	sbarrier.arrive $0xFFFF  }
0x1e: {  	[tilespmem:s16], [sflag:$0x1] =	stream.indirect.gather [hbm4b:s4+s15], $0x40, s3, s15, $0xb8;
	[tilespmem:$0x1FB00] =	vst v63  }
0x1f: {  	_ = 	snop  }
0x20: {  	[tilespmem:s17], [sflag:$0x1] =	stream.indirect.gather [hbm4b:s4+s15], $0x40, s15, s15, $0xb8;
	[tilespmem:$0x1FB00] =	vst v63  }
0x21: {  	_ = 	snop  }
0x22: {  	[tilespmem:s19], [sflag:$0x1] =	stream.indirect.gather [hbm4b:s4+s15], $0x40, s18, s15, $0xb8;
	[tilespmem:$0x1FB00] =	vst v63  }
0x23: {  	_ = 	snop  }
0x24: {  	[tilespmem:s21], [sflag:$0x1] =	stream.indirect.gather [hbm4b:s4+s15], $0x40, s20, s15, $0xb8;
	[tilespmem:$0x1FB00] =	vst v63  }
0x25: {  	s29 =	simm.s32 $0x280;
	s30 =	simm.s32 $0x0  }
0x26: {  	[tilespmem:s23], [sflag:$0x1] =	stream.indirect.gather [hbm4b:s4+s15], $0x40, s22, s15, $0xb8;
	[tilespmem:$0x1FB00] =	vst v63  }
.LBB2_2:
0x27: {  	s31 =	smul.u32 $0xAB, s30;
	_ =	sdelay $0x1  }
0x28: {  	s31 =	sshrl.u32 s31, $0xA  }
0x29: {  	s31 =	sand.u32 $0x3F, s31  }
0x2a: {  	s31 =	smul.u32 $0x6, s31;
	_ =	sdelay $0x1  }
0x2b: {  	s31 =	ssub.s32 s30, s31  }
0x2c: {  	_ =	swait.ge [sflag:s24], $0x2000;
	s31 =	sand.u32 $0xFF, s31  }
0x2d: {  	[sflag:s24] =	ssyncset.done $0x0;
	s31 =	sshll.u32 s31, $0xD  }
0x2e: {  	p0 =	seq.s32 s30, $0x0;
	[sflag:s24] =	ssyncadd.s32 $0xFFFFE000;
	s31 =	sadd.s32 $0x9D00, s31  }
0x2f: {  	[spmem:s2] =	stream.indirect.scatter.add.f32 [tilespmem:s31], [sflag:$0x2], $0x40, s28, s15, $0xb8;
	[tilespmem:$0x1FB00] =	vst v63  }
0x30: {  	s31 =	simm.s32 @!p0 $0x2  }
0x31: {  	p1 =	sgt.u32 @!p0 s30, $0x97;
	_ =	swait.ge @!p0 [sflag:s31], $0x2000  }
0x32: {  	p1 =	por p0, !p1;
	[sflag:s31] =	ssyncset.done @!p0 $0x0  }
0x33: {  	[sflag:s31] =	ssyncadd.s32 @!p0 $0xFFFFE000;
	s31 =	sadd.s32 @p1 $0x5, s30  }
0x34: {  	s0 =	smul.u32 @p1 $0xAB, s31;
	_ =	sdelay $0x1  }
0x35: {  	s0 =	sshrl.u32 @p1 s0, $0xA  }
0x36: {  	s0 =	sand.u32 @p1 $0x3F, s0  }
0x37: {  	s0 =	smul.u32 @p1 $0x6, s0  }
0x38: {  	s30 =	sadd.s32 $0x1, s30  }
0x39: {  	p0 =	sne.s32 s30, $0x9D;
	s0 =	ssub.s32 @p1 s31, s0  }
.Ltmp0:
0x3a: {  	s0 =	sand.u32 @p1 $0xFF, s0;
	(pc) =	sbr.rel @p0 .LBB2_2-.Ltmp0, $4  }
0x3b: {  	s0 =	sshll.u32 @p1 s0, $0xD  }
0x3c: {  	s0 =	sadd.s32 @p1 $0x9D00, s0  }
0x3d: {  	[tilespmem:s0], [sflag:$0x1] =	stream.indirect.gather @p1 [hbm4b:s4+s15], $0x40, s29, s15, $0xb8;
	[tilespmem:$0x1FB00] =	vst v63  }
0x3e: {  	s28 =	sadd.s32 $0x80, s28;
	s29 =	sadd.s32 $0x80, s29  }
0x3f: {  	_ =	swait.ge [sflag:s25], $0x2000  }
0x40: {  	[sflag:s25] =	ssyncset.done $0x0  }
0x41: {  	[sflag:s25] =	ssyncadd.s32 $0xFFFFE000  }
0x42: {  	[bflag:$0x0] =	sbarrier.arrive $0xFFFF  }
0x43: {  	[hbm:s10], [sflag:s7] =	dma.local [spmem:s13], $0x13C0  }
0x44: {  	_ =	swait.ge [sflag:s14], $0x13C0  }
0x45: {  	[sflag:s14] =	ssyncset.done $0x0  }
0x46: {  	[sflag:s14] =	ssyncadd.s32 $0xFFFFEC40  }
0x47: {  	[spmem:s13], [sflag:s7] =	dma.local [hbm:s6], $0x13C0  }
0x48: {  	_ =	swait.ge [sflag:s14], $0x13C0  }
0x49: {  	[sflag:s14] =	ssyncset.done $0x0  }
0x4a: {  	[sflag:s14] =	ssyncadd.s32 $0xFFFFEC40  }
0x4b: {  	s28 =	simm.s32 $0x0;
	[bflag:$0x0] =	sbarrier.arrive $0xFFFF  }
0x4c: {  	[tilespmem:s16], [sflag:$0x1] =	stream.indirect.gather [hbm4b:s5+s15], $0x40, s28, s15, $0xb8;
	[tilespmem:$0x1FB00] =	vst v63  }
0x4d: {  	_ = 	snop  }
0x4e: {  	[tilespmem:s17], [sflag:$0x1] =	stream.indirect.gather [hbm4b:s5+s15], $0x40, s15, s15, $0xb8;
	[tilespmem:$0x1FB00] =	vst v63  }
0x4f: {  	_ = 	snop  }
0x50: {  	[tilespmem:s19], [sflag:$0x1] =	stream.indirect.gather [hbm4b:s5+s15], $0x40, s18, s15, $0xb8;
	[tilespmem:$0x1FB00] =	vst v63  }
0x51: {  	_ = 	snop  }
0x52: {  	[tilespmem:s21], [sflag:$0x1] =	stream.indirect.gather [hbm4b:s5+s15], $0x40, s20, s15, $0xb8;
	[tilespmem:$0x1FB00] =	vst v63  }
0x53: {  	s29 =	simm.s32 $0x280;
	s30 =	simm.s32 $0x4E80  }
0x54: {  	[tilespmem:s23], [sflag:$0x1] =	stream.indirect.gather [hbm4b:s5+s15], $0x40, s22, s15, $0xb8;
	[tilespmem:$0x1FB00] =	vst v63  }
.LBB2_4:
0x55: {  	s0 =	smul.u32 $0xAB, s28;
	_ =	sdelay $0x1  }
0x56: {  	s0 =	sshrl.u32 s0, $0xA  }
0x57: {  	s0 =	sand.u32 $0x3F, s0  }
0x58: {  	s0 =	smul.u32 $0x6, s0;
	_ =	sdelay $0x1  }
0x59: {  	s0 =	ssub.s32 s28, s0  }
0x5a: {  	_ =	swait.ge [sflag:s24], $0x2000;
	s0 =	sand.u32 $0xFF, s0  }
0x5b: {  	[sflag:s24] =	ssyncset.done $0x0;
	s0 =	sshll.u32 s0, $0xD  }
0x5c: {  	p0 =	seq.s32 s28, $0x0;
	[sflag:s24] =	ssyncadd.s32 $0xFFFFE000;
	s0 =	sadd.s32 $0x9D00, s0  }
0x5d: {  	[spmem:s2] =	stream.indirect.scatter.add.f32 [tilespmem:s0], [sflag:$0x2], $0x40, s30, s15, $0xb8;
	[tilespmem:$0x1FB00] =	vst v63  }
0x5e: {  	s0 =	simm.s32 @!p0 $0x2  }
0x5f: {  	p1 =	sgt.u32 @!p0 s28, $0x97;
	_ =	swait.ge @!p0 [sflag:s0], $0x2000  }
0x60: {  	p1 =	por p0, !p1;
	[sflag:s0] =	ssyncset.done @!p0 $0x0  }
0x61: {  	[sflag:s0] =	ssyncadd.s32 @!p0 $0xFFFFE000;
	s0 =	sadd.s32 @p1 $0x5, s28  }
0x62: {  	s31 =	smul.u32 @p1 $0xAB, s0;
	_ =	sdelay $0x1  }
0x63: {  	s31 =	sshrl.u32 @p1 s31, $0xA  }
0x64: {  	s31 =	sand.u32 @p1 $0x3F, s31  }
0x65: {  	s31 =	smul.u32 @p1 $0x6, s31  }
0x66: {  	s28 =	sadd.s32 $0x1, s28  }
0x67: {  	p0 =	sne.s32 s28, $0x9D;
	s0 =	ssub.s32 @p1 s0, s31  }
.Ltmp1:
0x68: {  	s0 =	sand.u32 @p1 $0xFF, s0;
	(pc) =	sbr.rel @p0 .LBB2_4-.Ltmp1, $4  }
0x69: {  	s0 =	sshll.u32 @p1 s0, $0xD  }
0x6a: {  	s0 =	sadd.s32 @p1 $0x9D00, s0  }
0x6b: {  	[tilespmem:s0], [sflag:$0x1] =	stream.indirect.gather @p1 [hbm4b:s5+s15], $0x40, s29, s15, $0xb8;
	[tilespmem:$0x1FB00] =	vst v63  }
0x6c: {  	s30 =	sadd.s32 $0x80, s30;
	s29 =	sadd.s32 $0x80, s29  }
0x6d: {  	_ =	swait.ge [sflag:s25], $0x2000  }
0x6e: {  	s26 =	sadd.s32 $0x1, s26;
	[sflag:s25] =	ssyncset.done $0x0  }
0x6f: {  	p0 =	sne.s32 s26, s12;
	[sflag:s25] =	ssyncadd.s32 $0xFFFFE000  }
.Ltmp2:
0x70: {  	[bflag:$0x0] =	sbarrier.arrive $0xFFFF;
	(pc) =	sbr.rel @p0 .LBB2_1-.Ltmp2, $4  }
0x71: {  	[hbm:s11], [sflag:s7] =	dma.local [spmem:s13], $0x13C0  }
0x72: {  	_ =	swait.ge [sflag:s14], $0x13C0  }
0x73: {  	[sflag:s14] =	ssyncset.done $0x0  }
0x74: {  	[sflag:s14] =	ssyncadd.s32 $0xFFFFEC40  }
0x75: {  	_ =	sfence.sel $0x180000  }
0x76: {  	[bflag:$0x0] =	sbarrier.arrive $0xFFFF  }
0x77: {  	_ =	strace $0x9000004A  }
0x78: {  	[bflag:$0x2] =	sbarrier.arrive $0xFFFF  }
0x79: {  	p0 =	sne.s32 s1, $0x0;
	s0 =	rddreg [dreg:$0x2]  }
0x7a: {  	s0 =	sadd.s32 @!p0 $0x100000, s0  }
0x7b: {  	[sflag:s0] =	ssyncadd.tile.s32 @!p0 $0x1;
	_ =	shalt  }
.Lfunc_end2:
_tile_overlayer_lowered:
.L_overlay_start_2:
0x7c: {  	(tag) =	ssettag $0x2  }
0x7d: {  	s0 =	rddreg [dreg:$0x0];
	s2 =	stileid.u32  }
0x7e: {  	s1 =	rddreg [dreg:$0x1];
	p0 =	sne.s32 s2, $0x0  }
0x7f: {  	s3 =	rddreg [dreg:$0x2];
	[bflag:$0x3] =	sbarrier.arrive $0xFFFF;
	s2 =	simm.s32 @!p0 $0x1C03  }
0x80: {  	[timem:s3], [sflag:s2] =	dma.local @!p0 [hbm:s0], s1  }
0x81: {  	s0 =	simm.s32 @!p0 $0x3  }
0x82: {  	_ =	swait.ge @!p0 [sflag:s0], s1  }
0x83: {  	s1 =	ssub.s32 @!p0 $0x0, s1;
	[sflag:s0] =	ssyncset.done @!p0 $0x0  }
0x84: {  	[sflag:s0] =	ssyncadd.s32 @!p0 s1  }
0x85: {  	[bflag:$0x3] =	sbarrier.arrive $0xFFFF  }
0x86: {  	_ =	shalt  }

</sc_bundles>
